<compile_context>
chip_gen: v7x
topology: tpu7x:2x2x1
jax: 0.10.2.dev20260603
libtpu: 0.0.44.dev20260713+nightly
codegen_flags: <defaults>
</compile_context>

<pallas_src>
import functools

import jax
import jax.numpy as jnp
from jax import lax
from jax.experimental import pallas as pl
from jax.experimental.pallas import tpu as pltpu
from jax.experimental.pallas import tpu_sc as plsc

N = 10000
E = 320000
D = 128

NC = 2
NS = 16
NW = NC * NS
EPT = E // NW
CH = 128
NCHUNK = 79
EPT_PAD = NCHUNK * CH
STRIPE = 632
NACC = STRIPE * NS
RB = 1000
GRID = N // RB

_mesh = plsc.VectorSubcoreMesh(core_axis_name="c", subcore_axis_name="s",
                               num_cores=NC, num_subcores=NS)


HN = 16384
HW1 = HN // NS


@functools.partial(
    pl.kernel,
    out_type=jax.ShapeDtypeStruct((NC, HN), jnp.float32),
    mesh=_mesh,
    compiler_params=pltpu.CompilerParams(needs_layout_passes=False),
    scratch_types=[
        pltpu.VMEM((NCHUNK, CH), jnp.int32),
        pltpu.VMEM((HN,), jnp.float32),
        pltpu.VMEM((HW1,), jnp.float32),
        pltpu.VMEM((HW1,), jnp.float32),
        pltpu.VMEM_SHARED((NS, HN), jnp.float32),
    ],
)
def _sc_degree(col_hbm, out_hbm, col_v, hist_v, red_v, tmp_v, hists):
    cc = lax.axis_index("c")
    s = lax.axis_index("s")
    wid = s * NC + cc
    pltpu.sync_copy(col_hbm.at[wid], col_v)
    zero16 = jnp.zeros((16,), jnp.float32)

    @pl.loop(0, HN // 16)
    def _(i):
        hist_v[pl.ds(i * 16, 16)] = zero16

    one16 = jnp.ones((16,), jnp.float32)

    @pl.loop(0, NCHUNK)
    def _(j):
        for c in range(8):
            idx = col_v[j, pl.ds(c * 16, 16)]
            plsc.addupdate_scatter(hist_v, [idx], one16)

    pltpu.sync_copy(hist_v, hists.at[s])
    plsc.subcore_barrier()

    pltpu.sync_copy(hists.at[0, pl.ds(s * HW1, HW1)], red_v)
    for k in range(1, NS):
        pltpu.sync_copy(hists.at[k, pl.ds(s * HW1, HW1)], tmp_v)

        @pl.loop(0, HW1 // 16)
        def _(i):
            sl = pl.ds(i * 16, 16)
            red_v[sl] = red_v[sl] + tmp_v[sl]

    pltpu.sync_copy(red_v, out_hbm.at[cc, pl.ds(s * HW1, HW1)])


@functools.partial(
    pl.kernel,
    out_type=jax.ShapeDtypeStruct((NC, NACC, D), jnp.float32),
    mesh=_mesh,
    scratch_types=[
        pltpu.VMEM((NCHUNK, CH), jnp.int32),
        pltpu.VMEM((NCHUNK, CH), jnp.int32),
        pltpu.VMEM((CH, D), jnp.float32),
        pltpu.VMEM_SHARED((NACC, D), jnp.float32),
        pltpu.SemaphoreType.DMA,
    ],
)
def _sc_aggregate(s_hbm, row_hbm, col_hbm, zero_hbm, out_hbm,
                  row_v, col_v, gbuf0, acc, sem0):
    cc = lax.axis_index("c")
    s = lax.axis_index("s")
    wid = s * NC + cc
    pltpu.sync_copy(zero_hbm, acc.at[pl.ds(s * STRIPE, STRIPE)])
    pltpu.sync_copy(row_hbm.at[wid], row_v)
    pltpu.sync_copy(col_hbm.at[wid], col_v)
    plsc.subcore_barrier()

    @pl.loop(0, NCHUNK)
    def _(j):
        pltpu.async_copy(s_hbm.at[row_v.at[j]], gbuf0, sem0).wait()
        pltpu.sync_copy(gbuf0, acc.at[col_v.at[j]], add=True)

    plsc.subcore_barrier()
    pltpu.sync_copy(acc.at[pl.ds(s * STRIPE, STRIPE)],
                    out_hbm.at[cc, pl.ds(s * STRIPE, STRIPE)])


def _tc_scale_matmul_body(x_ref, w_ref, d0_ref, d1_ref, o_ref):
    deg = d0_ref[...] + d1_ref[...] + 1.0
    dis = lax.rsqrt(deg)
    o_ref[...] = dis * jnp.dot(x_ref[...], w_ref[...],
                               preferred_element_type=jnp.float32)


def _tc_scale_matmul(x, w, dp):
    return pl.pallas_call(
        _tc_scale_matmul_body,
        grid=(GRID,),
        in_specs=[
            pl.BlockSpec((RB, D), lambda i: (i, 0)),
            pl.BlockSpec((D, D), lambda i: (0, 0)),
            pl.BlockSpec((RB, 1), lambda i: (i, 0)),
            pl.BlockSpec((RB, 1), lambda i: (i, 0)),
        ],
        out_specs=pl.BlockSpec((RB, D), lambda i: (i, 0)),
        out_shape=jax.ShapeDtypeStruct((N, D), jnp.float32),
    )(x, w, dp[0], dp[1])


def _tc_finalize_body(s_ref, a0_ref, a1_ref, d0_ref, d1_ref, b_ref, o_ref):
    deg = d0_ref[...] + d1_ref[...] + 1.0
    dis = lax.rsqrt(deg)
    o_ref[...] = dis * (a0_ref[...] + a1_ref[...] + s_ref[...]) + b_ref[...]


def _tc_finalize(s, agg, dp, b2):
    return pl.pallas_call(
        _tc_finalize_body,
        grid=(GRID,),
        in_specs=[
            pl.BlockSpec((RB, D), lambda i: (i, 0)),
            pl.BlockSpec((RB, D), lambda i: (i, 0)),
            pl.BlockSpec((RB, D), lambda i: (i, 0)),
            pl.BlockSpec((RB, 1), lambda i: (i, 0)),
            pl.BlockSpec((RB, 1), lambda i: (i, 0)),
            pl.BlockSpec((1, D), lambda i: (0, 0)),
        ],
        out_specs=pl.BlockSpec((RB, D), lambda i: (i, 0)),
        out_shape=jax.ShapeDtypeStruct((N, D), jnp.float32),
    )(s, agg[0], agg[1], dp[0], dp[1], b2)


def kernel(x, edge_index, W, b):
    row = edge_index[0].reshape(NW, EPT)
    col = edge_index[1].reshape(NW, EPT)
    pad = ((0, 0), (0, EPT_PAD - EPT))
    row3 = jnp.pad(row, pad, constant_values=0).reshape(NW, NCHUNK, CH)
    col3 = jnp.pad(col, pad, constant_values=N).reshape(NW, NCHUNK, CH)

    z128 = jnp.zeros((STRIPE, D), jnp.float32)

    dpf = _sc_degree(col3)
    dp = dpf.reshape(NC, HN, 1)
    s = _tc_scale_matmul(x, W, dp)
    agg = _sc_aggregate(s, row3, col3, z128)
    return _tc_finalize(s, agg, dp, b.reshape(1, D))

# --- scband reference (transcript-rebuilt; emitter-appended) ---
"""Pipeline reference for scband-na-aggregator-4544075399249 (READ-ONLY COPY).

The authoritative reference and input builder live on the scoring server;
editing this copy changes nothing except your own understanding.
"""

import jax, jax.numpy as jnp
import numpy as np

N = 10000
E = 320000
D_IN = 128
D_OUT = 128


def setup_inputs(seed: int = 0) -> dict:
    key = jax.random.key(seed)
    k1, k2, k3 = jax.random.split(key, 3)
    x = jax.random.normal(k1, (N, D_IN), dtype=jnp.float32)
    edge_index = jax.random.randint(k2, (2, E), 0, N, dtype=jnp.int32)
    # GCNConv learned parameters (glorot-ish init)
    W = jax.random.normal(k3, (D_IN, D_OUT), dtype=jnp.float32) * (1.0 / np.sqrt(D_IN))
    b = jnp.zeros((D_OUT,), dtype=jnp.float32)
    return {"x": x, "edge_index": edge_index, "W": W, "b": b}


def reference(x, edge_index, W, b):
    # Faithful GCNConv (PyG semantics): add self-loops, symmetric normalization,
    # linear transform, scatter-add aggregation onto destination nodes, plus bias.
    row = edge_index[0]
    col = edge_index[1]
    loop = jnp.arange(N, dtype=edge_index.dtype)
    row = jnp.concatenate([row, loop])
    col = jnp.concatenate([col, loop])
    edge_weight = jnp.ones(row.shape[0], dtype=x.dtype)
    # degree computed on destination index (source_to_target flow)
    deg = jnp.zeros((N,), dtype=x.dtype).at[col].add(edge_weight)
    deg_inv_sqrt = jnp.where(deg > 0, deg ** -0.5, 0.0)
    norm = deg_inv_sqrt[row] * edge_weight * deg_inv_sqrt[col]
    xw = x @ W
    msg = norm[:, None] * jnp.take(xw, row, axis=0)
    out = jnp.zeros((N, D_OUT), dtype=x.dtype).at[col].add(msg)
    return out + b

if __name__ == "__main__":
    import jax
    _d = setup_inputs()
    print(jax.jit(kernel)(*tuple(_d.values())))

</pallas_src>

<mosaic_0001>
#map = affine_map<(d0, d1) -> (0, 0, 0)>
#map1 = affine_map<(d0, d1) -> (0, 0)>
module attributes {stable_mosaic.version = 14 : i64} {
  func.func @_sc_degree(%arg0: i32, %arg1: i32, %arg2: memref<32x79x128xi32, #tpu.memory_space<hbm>>, %arg3: memref<2x16384xf32, #tpu.memory_space<hbm>>, %arg4: memref<79x128xi32, #tpu.memory_space<vmem>>, %arg5: memref<16384xf32, #tpu.memory_space<vmem>>, %arg6: memref<1024xf32, #tpu.memory_space<vmem>>, %arg7: memref<1024xf32, #tpu.memory_space<vmem>>, %arg8: memref<16x16384xf32, #tpu.memory_space<vmem_shared>>) attributes {dimension_semantics = [#tpu.dimension_semantics<core_parallel>, #tpu.dimension_semantics<subcore_parallel>], iteration_bounds = array<i64: 2, 16>, scalar_prefetch = 0 : i64, scratch_operands = 5 : i64, tpu.core_type = #tpu.core_type<sc_vector_subcore>, window_params = [{transform_indices = #map}, {transform_indices = #map1}]} {
    %mul3A = arith.constant 2 : i32
    %mul3A_0 = arith.muli %arg1, %mul3A : i32
    %add3A = arith.addi %mul3A_0, %arg0 : i32
    "tpu.region"() ({
      %run_scoped3A_137 = tpu.sem_alloc : memref<!tpu.dma_semaphore, #tpu.memory_space<semaphore_mem>>
      %dma_start3A = arith.constant 0 : i32
      %dma_start3A_138 = arith.constant 0 : i32
      %dma_start3A_139 = tpu.memref_slice %arg2[%add3A, %dma_start3A, %dma_start3A_138] : memref<32x79x128xi32, #tpu.memory_space<hbm>> -> memref<1x79x128xi32, #tpu.memory_space<hbm>>
      %dma_start3A_140 = tpu.memref_squeeze %dma_start3A_139 : memref<1x79x128xi32, #tpu.memory_space<hbm>> -> memref<79x128xi32, #tpu.memory_space<hbm>>
      %dma_start3A_141 = arith.constant 0 : i32
      %dma_start3A_142 = arith.constant 0 : i32
      %dma_start3A_143 = tpu.memref_slice %arg2[%add3A, %dma_start3A_141, %dma_start3A_142] : memref<32x79x128xi32, #tpu.memory_space<hbm>> -> memref<1x79x128xi32, #tpu.memory_space<hbm>>
      %dma_start3A_144 = tpu.memref_squeeze %dma_start3A_143 : memref<1x79x128xi32, #tpu.memory_space<hbm>> -> memref<79x128xi32, #tpu.memory_space<hbm>>
      tpu.enqueue_dma source(%dma_start3A_144 : memref<79x128xi32, #tpu.memory_space<hbm>>) target(%arg4 : memref<79x128xi32, #tpu.memory_space<vmem>>) target_semaphore(%run_scoped3A_137 : memref<!tpu.dma_semaphore, #tpu.memory_space<semaphore_mem>>)
      %dma_wait3A = arith.constant 0 : i32
      %dma_wait3A_145 = arith.constant 0 : i32
      %dma_wait3A_146 = tpu.memref_slice %arg2[%add3A, %dma_wait3A, %dma_wait3A_145] : memref<32x79x128xi32, #tpu.memory_space<hbm>> -> memref<1x79x128xi32, #tpu.memory_space<hbm>>
      %dma_wait3A_147 = tpu.memref_squeeze %dma_wait3A_146 : memref<1x79x128xi32, #tpu.memory_space<hbm>> -> memref<79x128xi32, #tpu.memory_space<hbm>>
      %dma_wait3A_148 = arith.constant 0 : i32
      %dma_wait3A_149 = arith.constant 0 : i32
      %dma_wait3A_150 = tpu.memref_slice %arg2[%add3A, %dma_wait3A_148, %dma_wait3A_149] : memref<32x79x128xi32, #tpu.memory_space<hbm>> -> memref<1x79x128xi32, #tpu.memory_space<hbm>>
      %dma_wait3A_151 = tpu.memref_squeeze %dma_wait3A_150 : memref<1x79x128xi32, #tpu.memory_space<hbm>> -> memref<79x128xi32, #tpu.memory_space<hbm>>
      tpu.wait_dma2 semaphore(%run_scoped3A_137 : memref<!tpu.dma_semaphore, #tpu.memory_space<semaphore_mem>>) src(%dma_wait3A_151 : memref<79x128xi32, #tpu.memory_space<hbm>>) dst(%arg4 : memref<79x128xi32, #tpu.memory_space<vmem>>)
      tpu.yield
    }) : () -> ()
    %broadcast_in_dim3A = arith.constant 0.000000e+00 : f32
    %broadcast_in_dim3A_1 = vector.broadcast %broadcast_in_dim3A : f32 to vector<16xf32>
    %scan3A = arith.constant 0 : i32
    %scan3A_2 = arith.constant 1024 : i32
    %scan3A_3 = arith.addi %scan3A, %scan3A_2 : i32
    %scan3A_4 = arith.constant 1 : i32
    scf.for %scan3A_137 = %scan3A to %scan3A_3 step %scan3A_4  : i32 {
      %mul3A_138 = arith.constant 1 : i32
      %mul3A_139 = arith.muli %scan3A_137, %mul3A_138 : i32
      %add3A_140 = arith.constant 0 : i32
      %add3A_141 = arith.addi %add3A_140, %mul3A_139 : i32
      %mul3A_142 = arith.constant 16 : i32
      %mul3A_143 = arith.muli %add3A_141, %mul3A_142 : i32
      %swap3A = arith.index_cast %mul3A_143 : i32 to index
      %swap3A_144 = tpu.vector_load %arg5[%swap3A] {strides = array<i32>} : memref<16384xf32, #tpu.memory_space<vmem>>, vector<16xf32>,
      tpu.vector_store %arg5[%swap3A], %broadcast_in_dim3A_1 {strides = array<i32>} : memref<16384xf32, #tpu.memory_space<vmem>>, vector<16xf32>,
    }
    %scan3A_5 = arith.constant 1024 : i32
    %broadcast_in_dim3A_6 = arith.constant 1.000000e+00 : f32
    %broadcast_in_dim3A_7 = vector.broadcast %broadcast_in_dim3A_6 : f32 to vector<16xf32>
    %scan3A_8 = arith.constant 0 : i32
    %scan3A_9 = arith.constant 79 : i32
    %scan3A_10 = arith.addi %scan3A_8, %scan3A_9 : i32
    %scan3A_11 = arith.constant 1 : i32
    scf.for %scan3A_137 = %scan3A_8 to %scan3A_10 step %scan3A_11  : i32 {
      %mul3A_138 = arith.constant 1 : i32
      %mul3A_139 = arith.muli %scan3A_137, %mul3A_138 : i32
      %add3A_140 = arith.constant 0 : i32
      %add3A_141 = arith.addi %add3A_140, %mul3A_139 : i32
      %get3A = arith.index_cast %add3A_141 : i32 to index
      %get3A_142 = arith.constant 0 : index
      %get3A_143 = tpu.vector_load %arg4[%get3A, %get3A_142] {strides = array<i32>} : memref<79x128xi32, #tpu.memory_space<vmem>>, vector<16xi32>,
      tpu.vector_store_idx %arg5[%get3A_143], %broadcast_in_dim3A_7 {add = true} : memref<16384xf32, #tpu.memory_space<vmem>>[vector<16xi32>], vector<16xf32>,
      %get3A_144 = arith.index_cast %add3A_141 : i32 to index
      %get3A_145 = arith.constant 16 : index
      %get3A_146 = tpu.vector_load %arg4[%get3A_144, %get3A_145] {strides = array<i32>} : memref<79x128xi32, #tpu.memory_space<vmem>>, vector<16xi32>,
      tpu.vector_store_idx %arg5[%get3A_146], %broadcast_in_dim3A_7 {add = true} : memref<16384xf32, #tpu.memory_space<vmem>>[vector<16xi32>], vector<16xf32>,
      %get3A_147 = arith.index_cast %add3A_141 : i32 to index
      %get3A_148 = arith.constant 32 : index
      %get3A_149 = tpu.vector_load %arg4[%get3A_147, %get3A_148] {strides = array<i32>} : memref<79x128xi32, #tpu.memory_space<vmem>>, vector<16xi32>,
      tpu.vector_store_idx %arg5[%get3A_149], %broadcast_in_dim3A_7 {add = true} : memref<16384xf32, #tpu.memory_space<vmem>>[vector<16xi32>], vector<16xf32>,
      %get3A_150 = arith.index_cast %add3A_141 : i32 to index
      %get3A_151 = arith.constant 48 : index
      %get3A_152 = tpu.vector_load %arg4[%get3A_150, %get3A_151] {strides = array<i32>} : memref<79x128xi32, #tpu.memory_space<vmem>>, vector<16xi32>,
      tpu.vector_store_idx %arg5[%get3A_152], %broadcast_in_dim3A_7 {add = true} : memref<16384xf32, #tpu.memory_space<vmem>>[vector<16xi32>], vector<16xf32>,
      %get3A_153 = arith.index_cast %add3A_141 : i32 to index
      %get3A_154 = arith.constant 64 : index
      %get3A_155 = tpu.vector_load %arg4[%get3A_153, %get3A_154] {strides = array<i32>} : memref<79x128xi32, #tpu.memory_space<vmem>>, vector<16xi32>,
      tpu.vector_store_idx %arg5[%get3A_155], %broadcast_in_dim3A_7 {add = true} : memref<16384xf32, #tpu.memory_space<vmem>>[vector<16xi32>], vector<16xf32>,
      %get3A_156 = arith.index_cast %add3A_141 : i32 to index
      %get3A_157 = arith.constant 80 : index
      %get3A_158 = tpu.vector_load %arg4[%get3A_156, %get3A_157] {strides = array<i32>} : memref<79x128xi32, #tpu.memory_space<vmem>>, vector<16xi32>,
      tpu.vector_store_idx %arg5[%get3A_158], %broadcast_in_dim3A_7 {add = true} : memref<16384xf32, #tpu.memory_space<vmem>>[vector<16xi32>], vector<16xf32>,
      %get3A_159 = arith.index_cast %add3A_141 : i32 to index
      %get3A_160 = arith.constant 96 : index
      %get3A_161 = tpu.vector_load %arg4[%get3A_159, %get3A_160] {strides = array<i32>} : memref<79x128xi32, #tpu.memory_space<vmem>>, vector<16xi32>,
      tpu.vector_store_idx %arg5[%get3A_161], %broadcast_in_dim3A_7 {add = true} : memref<16384xf32, #tpu.memory_space<vmem>>[vector<16xi32>], vector<16xf32>,
      %get3A_162 = arith.index_cast %add3A_141 : i32 to index
      %get3A_163 = arith.constant 112 : index
      %get3A_164 = tpu.vector_load %arg4[%get3A_162, %get3A_163] {strides = array<i32>} : memref<79x128xi32, #tpu.memory_space<vmem>>, vector<16xi32>,
      tpu.vector_store_idx %arg5[%get3A_164], %broadcast_in_dim3A_7 {add = true} : memref<16384xf32, #tpu.memory_space<vmem>>[vector<16xi32>], vector<16xf32>,
    }
    %scan3A_12 = arith.constant 79 : i32
    "tpu.region"() ({
      %run_scoped3A_137 = tpu.sem_alloc : memref<!tpu.dma_semaphore, #tpu.memory_space<semaphore_mem>>
      %dma_start3A = arith.constant 0 : i32
      %dma_start3A_138 = tpu.memref_slice %arg8[%arg1, %dma_start3A] : memref<16x16384xf32, #tpu.memory_space<vmem_shared>> -> memref<1x16384xf32, #tpu.memory_space<vmem_shared>>
      %dma_start3A_139 = tpu.memref_squeeze %dma_start3A_138 : memref<1x16384xf32, #tpu.memory_space<vmem_shared>> -> memref<16384xf32, #tpu.memory_space<vmem_shared>>
      %dma_start3A_140 = arith.constant 0 : i32
      %dma_start3A_141 = tpu.memref_slice %arg8[%arg1, %dma_start3A_140] : memref<16x16384xf32, #tpu.memory_space<vmem_shared>> -> memref<1x16384xf32, #tpu.memory_space<vmem_shared>>
      %dma_start3A_142 = tpu.memref_squeeze %dma_start3A_141 : memref<1x16384xf32, #tpu.memory_space<vmem_shared>> -> memref<16384xf32, #tpu.memory_space<vmem_shared>>
      tpu.enqueue_dma source(%arg5 : memref<16384xf32, #tpu.memory_space<vmem>>) target(%dma_start3A_142 : memref<16384xf32, #tpu.memory_space<vmem_shared>>) target_semaphore(%run_scoped3A_137 : memref<!tpu.dma_semaphore, #tpu.memory_space<semaphore_mem>>)
      %dma_wait3A = arith.constant 0 : i32
      %dma_wait3A_143 = tpu.memref_slice %arg8[%arg1, %dma_wait3A] : memref<16x16384xf32, #tpu.memory_space<vmem_shared>> -> memref<1x16384xf32, #tpu.memory_space<vmem_shared>>
      %dma_wait3A_144 = tpu.memref_squeeze %dma_wait3A_143 : memref<1x16384xf32, #tpu.memory_space<vmem_shared>> -> memref<16384xf32, #tpu.memory_space<vmem_shared>>
      %dma_wait3A_145 = arith.constant 0 : i32
      %dma_wait3A_146 = tpu.memref_slice %arg8[%arg1, %dma_wait3A_145] : memref<16x16384xf32, #tpu.memory_space<vmem_shared>> -> memref<1x16384xf32, #tpu.memory_space<vmem_shared>>
      %dma_wait3A_147 = tpu.memref_squeeze %dma_wait3A_146 : memref<1x16384xf32, #tpu.memory_space<vmem_shared>> -> memref<16384xf32, #tpu.memory_space<vmem_shared>>
      tpu.wait_dma2 semaphore(%run_scoped3A_137 : memref<!tpu.dma_semaphore, #tpu.memory_space<semaphore_mem>>) src(%arg5 : memref<16384xf32, #tpu.memory_space<vmem>>) dst(%dma_wait3A_147 : memref<16384xf32, #tpu.memory_space<vmem_shared>>)
      tpu.yield
    }) : () -> ()
    %barrier3A = arith.constant 0 : index
    tpu.barrier barrier_id(%barrier3A)
    %mul3A_13 = arith.constant 1024 : i32
    %mul3A_14 = arith.muli %arg1, %mul3A_13 : i32
    %run_scoped3A = arith.constant 0 : i32
    "tpu.region"() ({
      %run_scoped3A_137 = tpu.sem_alloc : memref<!tpu.dma_semaphore, #tpu.memory_space<semaphore_mem>>
      %dma_start3A = tpu.memref_slice %arg8[%run_scoped3A, %mul3A_14] : memref<16x16384xf32, #tpu.memory_space<vmem_shared>> -> memref<1x1024xf32, #tpu.memory_space<vmem_shared>>
      %dma_start3A_138 = tpu.memref_squeeze %dma_start3A : memref<1x1024xf32, #tpu.memory_space<vmem_shared>> -> memref<1024xf32, #tpu.memory_space<vmem_shared>>
      %dma_start3A_139 = tpu.memref_slice %arg8[%run_scoped3A, %mul3A_14] : memref<16x16384xf32, #tpu.memory_space<vmem_shared>> -> memref<1x1024xf32, #tpu.memory_space<vmem_shared>>
      %dma_start3A_140 = tpu.memref_squeeze %dma_start3A_139 : memref<1x1024xf32, #tpu.memory_space<vmem_shared>> -> memref<1024xf32, #tpu.memory_space<vmem_shared>>
      tpu.enqueue_dma source(%dma_start3A_140 : memref<1024xf32, #tpu.memory_space<vmem_shared>>) target(%arg6 : memref<1024xf32, #tpu.memory_space<vmem>>) target_semaphore(%run_scoped3A_137 : memref<!tpu.dma_semaphore, #tpu.memory_space<semaphore_mem>>)
      %dma_wait3A = tpu.memref_slice %arg8[%run_scoped3A, %mul3A_14] : memref<16x16384xf32, #tpu.memory_space<vmem_shared>> -> memref<1x1024xf32, #tpu.memory_space<vmem_shared>>
      %dma_wait3A_141 = tpu.memref_squeeze %dma_wait3A : memref<1x1024xf32, #tpu.memory_space<vmem_shared>> -> memref<1024xf32, #tpu.memory_space<vmem_shared>>
      %dma_wait3A_142 = tpu.memref_slice %arg8[%run_scoped3A, %mul3A_14] : memref<16x16384xf32, #tpu.memory_space<vmem_shared>> -> memref<1x1024xf32, #tpu.memory_space<vmem_shared>>
      %dma_wait3A_143 = tpu.memref_squeeze %dma_wait3A_142 : memref<1x1024xf32, #tpu.memory_space<vmem_shared>> -> memref<1024xf32, #tpu.memory_space<vmem_shared>>
      tpu.wait_dma2 semaphore(%run_scoped3A_137 : memref<!tpu.dma_semaphore, #tpu.memory_space<semaphore_mem>>) src(%dma_wait3A_143 : memref<1024xf32, #tpu.memory_space<vmem_shared>>) dst(%arg6 : memref<1024xf32, #tpu.memory_space<vmem>>)
      tpu.yield
    }) : () -> ()
    %mul3A_15 = arith.constant 1024 : i32
    %mul3A_16 = arith.muli %arg1, %mul3A_15 : i32
    %run_scoped3A_17 = arith.constant 1 : i32
    "tpu.region"() ({
      %run_scoped3A_137 = tpu.sem_alloc : memref<!tpu.dma_semaphore, #tpu.memory_space<semaphore_mem>>
      %dma_start3A = tpu.memref_slice %arg8[%run_scoped3A_17, %mul3A_16] : memref<16x16384xf32, #tpu.memory_space<vmem_shared>> -> memref<1x1024xf32, #tpu.memory_space<vmem_shared>>
      %dma_start3A_138 = tpu.memref_squeeze %dma_start3A : memref<1x1024xf32, #tpu.memory_space<vmem_shared>> -> memref<1024xf32, #tpu.memory_space<vmem_shared>>
      %dma_start3A_139 = tpu.memref_slice %arg8[%run_scoped3A_17, %mul3A_16] : memref<16x16384xf32, #tpu.memory_space<vmem_shared>> -> memref<1x1024xf32, #tpu.memory_space<vmem_shared>>
      %dma_start3A_140 = tpu.memref_squeeze %dma_start3A_139 : memref<1x1024xf32, #tpu.memory_space<vmem_shared>> -> memref<1024xf32, #tpu.memory_space<vmem_shared>>
      tpu.enqueue_dma source(%dma_start3A_140 : memref<1024xf32, #tpu.memory_space<vmem_shared>>) target(%arg7 : memref<1024xf32, #tpu.memory_space<vmem>>) target_semaphore(%run_scoped3A_137 : memref<!tpu.dma_semaphore, #tpu.memory_space<semaphore_mem>>)
      %dma_wait3A = tpu.memref_slice %arg8[%run_scoped3A_17, %mul3A_16] : memref<16x16384xf32, #tpu.memory_space<vmem_shared>> -> memref<1x1024xf32, #tpu.memory_space<vmem_shared>>
      %dma_wait3A_141 = tpu.memref_squeeze %dma_wait3A : memref<1x1024xf32, #tpu.memory_space<vmem_shared>> -> memref<1024xf32, #tpu.memory_space<vmem_shared>>
      %dma_wait3A_142 = tpu.memref_slice %arg8[%run_scoped3A_17, %mul3A_16] : memref<16x16384xf32, #tpu.memory_space<vmem_shared>> -> memref<1x1024xf32, #tpu.memory_space<vmem_shared>>
      %dma_wait3A_143 = tpu.memref_squeeze %dma_wait3A_142 : memref<1x1024xf32, #tpu.memory_space<vmem_shared>> -> memref<1024xf32, #tpu.memory_space<vmem_shared>>
      tpu.wait_dma2 semaphore(%run_scoped3A_137 : memref<!tpu.dma_semaphore, #tpu.memory_space<semaphore_mem>>) src(%dma_wait3A_143 : memref<1024xf32, #tpu.memory_space<vmem_shared>>) dst(%arg7 : memref<1024xf32, #tpu.memory_space<vmem>>)
      tpu.yield
    }) : () -> ()
    %scan3A_18 = arith.constant 0 : i32
    %scan3A_19 = arith.constant 64 : i32
    %scan3A_20 = arith.addi %scan3A_18, %scan3A_19 : i32
    %scan3A_21 = arith.constant 1 : i32
    scf.for %scan3A_137 = %scan3A_18 to %scan3A_20 step %scan3A_21  : i32 {
      %mul3A_138 = arith.constant 1 : i32
      %mul3A_139 = arith.muli %scan3A_137, %mul3A_138 : i32
      %add3A_140 = arith.constant 0 : i32
      %add3A_141 = arith.addi %add3A_140, %mul3A_139 : i32
      %mul3A_142 = arith.constant 16 : i32
      %mul3A_143 = arith.muli %add3A_141, %mul3A_142 : i32
      %get3A = arith.index_cast %mul3A_143 : i32 to index
      %get3A_144 = tpu.vector_load %arg6[%get3A] {strides = array<i32>} : memref<1024xf32, #tpu.memory_space<vmem>>, vector<16xf32>,
      %get3A_145 = arith.index_cast %mul3A_143 : i32 to index
      %get3A_146 = tpu.vector_load %arg7[%get3A_145] {strides = array<i32>} : memref<1024xf32, #tpu.memory_space<vmem>>, vector<16xf32>,
      %add3A_147 = arith.addf %get3A_144, %get3A_146 : vector<16xf32>
      %swap3A = arith.index_cast %mul3A_143 : i32 to index
      %swap3A_148 = tpu.vector_load %arg6[%swap3A] {strides = array<i32>} : memref<1024xf32, #tpu.memory_space<vmem>>, vector<16xf32>,
      tpu.vector_store %arg6[%swap3A], %add3A_147 {strides = array<i32>} : memref<1024xf32, #tpu.memory_space<vmem>>, vector<16xf32>,
    }
    %scan3A_22 = arith.constant 64 : i32
    %mul3A_23 = arith.constant 1024 : i32
    %mul3A_24 = arith.muli %arg1, %mul3A_23 : i32
    %run_scoped3A_25 = arith.constant 2 : i32
    "tpu.region"() ({
      %run_scoped3A_137 = tpu.sem_alloc : memref<!tpu.dma_semaphore, #tpu.memory_space<semaphore_mem>>
      %dma_start3A = tpu.memref_slice %arg8[%run_scoped3A_25, %mul3A_24] : memref<16x16384xf32, #tpu.memory_space<vmem_shared>> -> memref<1x1024xf32, #tpu.memory_space<vmem_shared>>
      %dma_start3A_138 = tpu.memref_squeeze %dma_start3A : memref<1x1024xf32, #tpu.memory_space<vmem_shared>> -> memref<1024xf32, #tpu.memory_space<vmem_shared>>
      %dma_start3A_139 = tpu.memref_slice %arg8[%run_scoped3A_25, %mul3A_24] : memref<16x16384xf32, #tpu.memory_space<vmem_shared>> -> memref<1x1024xf32, #tpu.memory_space<vmem_shared>>
      %dma_start3A_140 = tpu.memref_squeeze %dma_start3A_139 : memref<1x1024xf32, #tpu.memory_space<vmem_shared>> -> memref<1024xf32, #tpu.memory_space<vmem_shared>>
      tpu.enqueue_dma source(%dma_start3A_140 : memref<1024xf32, #tpu.memory_space<vmem_shared>>) target(%arg7 : memref<1024xf32, #tpu.memory_space<vmem>>) target_semaphore(%run_scoped3A_137 : memref<!tpu.dma_semaphore, #tpu.memory_space<semaphore_mem>>)
      %dma_wait3A = tpu.memref_slice %arg8[%run_scoped3A_25, %mul3A_24] : memref<16x16384xf32, #tpu.memory_space<vmem_shared>> -> memref<1x1024xf32, #tpu.memory_space<vmem_shared>>
      %dma_wait3A_141 = tpu.memref_squeeze %dma_wait3A : memref<1x1024xf32, #tpu.memory_space<vmem_shared>> -> memref<1024xf32, #tpu.memory_space<vmem_shared>>
      %dma_wait3A_142 = tpu.memref_slice %arg8[%run_scoped3A_25, %mul3A_24] : memref<16x16384xf32, #tpu.memory_space<vmem_shared>> -> memref<1x1024xf32, #tpu.memory_space<vmem_shared>>
      %dma_wait3A_143 = tpu.memref_squeeze %dma_wait3A_142 : memref<1x1024xf32, #tpu.memory_space<vmem_shared>> -> memref<1024xf32, #tpu.memory_space<vmem_shared>>
      tpu.wait_dma2 semaphore(%run_scoped3A_137 : memref<!tpu.dma_semaphore, #tpu.memory_space<semaphore_mem>>) src(%dma_wait3A_143 : memref<1024xf32, #tpu.memory_space<vmem_shared>>) dst(%arg7 : memref<1024xf32, #tpu.memory_space<vmem>>)
      tpu.yield
    }) : () -> ()
    %scan3A_26 = arith.constant 0 : i32
    %scan3A_27 = arith.constant 64 : i32
    %scan3A_28 = arith.addi %scan3A_26, %scan3A_27 : i32
    %scan3A_29 = arith.constant 1 : i32
    scf.for %scan3A_137 = %scan3A_26 to %scan3A_28 step %scan3A_29  : i32 {
      %mul3A_138 = arith.constant 1 : i32
      %mul3A_139 = arith.muli %scan3A_137, %mul3A_138 : i32
      %add3A_140 = arith.constant 0 : i32
      %add3A_141 = arith.addi %add3A_140, %mul3A_139 : i32
      %mul3A_142 = arith.constant 16 : i32
      %mul3A_143 = arith.muli %add3A_141, %mul3A_142 : i32
      %get3A = arith.index_cast %mul3A_143 : i32 to index
      %get3A_144 = tpu.vector_load %arg6[%get3A] {strides = array<i32>} : memref<1024xf32, #tpu.memory_space<vmem>>, vector<16xf32>,
      %get3A_145 = arith.index_cast %mul3A_143 : i32 to index
      %get3A_146 = tpu.vector_load %arg7[%get3A_145] {strides = array<i32>} : memref<1024xf32, #tpu.memory_space<vmem>>, vector<16xf32>,
      %add3A_147 = arith.addf %get3A_144, %get3A_146 : vector<16xf32>
      %swap3A = arith.index_cast %mul3A_143 : i32 to index
      %swap3A_148 = tpu.vector_load %arg6[%swap3A] {strides = array<i32>} : memref<1024xf32, #tpu.memory_space<vmem>>, vector<16xf32>,
      tpu.vector_store %arg6[%swap3A], %add3A_147 {strides = array<i32>} : memref<1024xf32, #tpu.memory_space<vmem>>, vector<16xf32>,
    }
    %scan3A_30 = arith.constant 64 : i32
    %mul3A_31 = arith.constant 1024 : i32
    %mul3A_32 = arith.muli %arg1, %mul3A_31 : i32
    %run_scoped3A_33 = arith.constant 3 : i32
    "tpu.region"() ({
      %run_scoped3A_137 = tpu.sem_alloc : memref<!tpu.dma_semaphore, #tpu.memory_space<semaphore_mem>>
      %dma_start3A = tpu.memref_slice %arg8[%run_scoped3A_33, %mul3A_32] : memref<16x16384xf32, #tpu.memory_space<vmem_shared>> -> memref<1x1024xf32, #tpu.memory_space<vmem_shared>>
      %dma_start3A_138 = tpu.memref_squeeze %dma_start3A : memref<1x1024xf32, #tpu.memory_space<vmem_shared>> -> memref<1024xf32, #tpu.memory_space<vmem_shared>>
      %dma_start3A_139 = tpu.memref_slice %arg8[%run_scoped3A_33, %mul3A_32] : memref<16x16384xf32, #tpu.memory_space<vmem_shared>> -> memref<1x1024xf32, #tpu.memory_space<vmem_shared>>
      %dma_start3A_140 = tpu.memref_squeeze %dma_start3A_139 : memref<1x1024xf32, #tpu.memory_space<vmem_shared>> -> memref<1024xf32, #tpu.memory_space<vmem_shared>>
      tpu.enqueue_dma source(%dma_start3A_140 : memref<1024xf32, #tpu.memory_space<vmem_shared>>) target(%arg7 : memref<1024xf32, #tpu.memory_space<vmem>>) target_semaphore(%run_scoped3A_137 : memref<!tpu.dma_semaphore, #tpu.memory_space<semaphore_mem>>)
      %dma_wait3A = tpu.memref_slice %arg8[%run_scoped3A_33, %mul3A_32] : memref<16x16384xf32, #tpu.memory_space<vmem_shared>> -> memref<1x1024xf32, #tpu.memory_space<vmem_shared>>
      %dma_wait3A_141 = tpu.memref_squeeze %dma_wait3A : memref<1x1024xf32, #tpu.memory_space<vmem_shared>> -> memref<1024xf32, #tpu.memory_space<vmem_shared>>
      %dma_wait3A_142 = tpu.memref_slice %arg8[%run_scoped3A_33, %mul3A_32] : memref<16x16384xf32, #tpu.memory_space<vmem_shared>> -> memref<1x1024xf32, #tpu.memory_space<vmem_shared>>
      %dma_wait3A_143 = tpu.memref_squeeze %dma_wait3A_142 : memref<1x1024xf32, #tpu.memory_space<vmem_shared>> -> memref<1024xf32, #tpu.memory_space<vmem_shared>>
      tpu.wait_dma2 semaphore(%run_scoped3A_137 : memref<!tpu.dma_semaphore, #tpu.memory_space<semaphore_mem>>) src(%dma_wait3A_143 : memref<1024xf32, #tpu.memory_space<vmem_shared>>) dst(%arg7 : memref<1024xf32, #tpu.memory_space<vmem>>)
      tpu.yield
    }) : () -> ()
    %scan3A_34 = arith.constant 0 : i32
    %scan3A_35 = arith.constant 64 : i32
    %scan3A_36 = arith.addi %scan3A_34, %scan3A_35 : i32
    %scan3A_37 = arith.constant 1 : i32
    scf.for %scan3A_137 = %scan3A_34 to %scan3A_36 step %scan3A_37  : i32 {
      %mul3A_138 = arith.constant 1 : i32
      %mul3A_139 = arith.muli %scan3A_137, %mul3A_138 : i32
      %add3A_140 = arith.constant 0 : i32
      %add3A_141 = arith.addi %add3A_140, %mul3A_139 : i32
      %mul3A_142 = arith.constant 16 : i32
      %mul3A_143 = arith.muli %add3A_141, %mul3A_142 : i32
      %get3A = arith.index_cast %mul3A_143 : i32 to index
      %get3A_144 = tpu.vector_load %arg6[%get3A] {strides = array<i32>} : memref<1024xf32, #tpu.memory_space<vmem>>, vector<16xf32>,
      %get3A_145 = arith.index_cast %mul3A_143 : i32 to index
      %get3A_146 = tpu.vector_load %arg7[%get3A_145] {strides = array<i32>} : memref<1024xf32, #tpu.memory_space<vmem>>, vector<16xf32>,
      %add3A_147 = arith.addf %get3A_144, %get3A_146 : vector<16xf32>
      %swap3A = arith.index_cast %mul3A_143 : i32 to index
      %swap3A_148 = tpu.vector_load %arg6[%swap3A] {strides = array<i32>} : memref<1024xf32, #tpu.memory_space<vmem>>, vector<16xf32>,
      tpu.vector_store %arg6[%swap3A], %add3A_147 {strides = array<i32>} : memref<1024xf32, #tpu.memory_space<vmem>>, vector<16xf32>,
    }
    %scan3A_38 = arith.constant 64 : i32
    %mul3A_39 = arith.constant 1024 : i32
    %mul3A_40 = arith.muli %arg1, %mul3A_39 : i32
    %run_scoped3A_41 = arith.constant 4 : i32
    "tpu.region"() ({
      %run_scoped3A_137 = tpu.sem_alloc : memref<!tpu.dma_semaphore, #tpu.memory_space<semaphore_mem>>
      %dma_start3A = tpu.memref_slice %arg8[%run_scoped3A_41, %mul3A_40] : memref<16x16384xf32, #tpu.memory_space<vmem_shared>> -> memref<1x1024xf32, #tpu.memory_space<vmem_shared>>
      %dma_start3A_138 = tpu.memref_squeeze %dma_start3A : memref<1x1024xf32, #tpu.memory_space<vmem_shared>> -> memref<1024xf32, #tpu.memory_space<vmem_shared>>
      %dma_start3A_139 = tpu.memref_slice %arg8[%run_scoped3A_41, %mul3A_40] : memref<16x16384xf32, #tpu.memory_space<vmem_shared>> -> memref<1x1024xf32, #tpu.memory_space<vmem_shared>>
      %dma_start3A_140 = tpu.memref_squeeze %dma_start3A_139 : memref<1x1024xf32, #tpu.memory_space<vmem_shared>> -> memref<1024xf32, #tpu.memory_space<vmem_shared>>
      tpu.enqueue_dma source(%dma_start3A_140 : memref<1024xf32, #tpu.memory_space<vmem_shared>>) target(%arg7 : memref<1024xf32, #tpu.memory_space<vmem>>) target_semaphore(%run_scoped3A_137 : memref<!tpu.dma_semaphore, #tpu.memory_space<semaphore_mem>>)
      %dma_wait3A = tpu.memref_slice %arg8[%run_scoped3A_41, %mul3A_40] : memref<16x16384xf32, #tpu.memory_space<vmem_shared>> -> memref<1x1024xf32, #tpu.memory_space<vmem_shared>>
      %dma_wait3A_141 = tpu.memref_squeeze %dma_wait3A : memref<1x1024xf32, #tpu.memory_space<vmem_shared>> -> memref<1024xf32, #tpu.memory_space<vmem_shared>>
      %dma_wait3A_142 = tpu.memref_slice %arg8[%run_scoped3A_41, %mul3A_40] : memref<16x16384xf32, #tpu.memory_space<vmem_shared>> -> memref<1x1024xf32, #tpu.memory_space<vmem_shared>>
      %dma_wait3A_143 = tpu.memref_squeeze %dma_wait3A_142 : memref<1x1024xf32, #tpu.memory_space<vmem_shared>> -> memref<1024xf32, #tpu.memory_space<vmem_shared>>
      tpu.wait_dma2 semaphore(%run_scoped3A_137 : memref<!tpu.dma_semaphore, #tpu.memory_space<semaphore_mem>>) src(%dma_wait3A_143 : memref<1024xf32, #tpu.memory_space<vmem_shared>>) dst(%arg7 : memref<1024xf32, #tpu.memory_space<vmem>>)
      tpu.yield
    }) : () -> ()
    %scan3A_42 = arith.constant 0 : i32
    %scan3A_43 = arith.constant 64 : i32
    %scan3A_44 = arith.addi %scan3A_42, %scan3A_43 : i32
    %scan3A_45 = arith.constant 1 : i32
    scf.for %scan3A_137 = %scan3A_42 to %scan3A_44 step %scan3A_45  : i32 {
      %mul3A_138 = arith.constant 1 : i32
      %mul3A_139 = arith.muli %scan3A_137, %mul3A_138 : i32
      %add3A_140 = arith.constant 0 : i32
      %add3A_141 = arith.addi %add3A_140, %mul3A_139 : i32
      %mul3A_142 = arith.constant 16 : i32
      %mul3A_143 = arith.muli %add3A_141, %mul3A_142 : i32
      %get3A = arith.index_cast %mul3A_143 : i32 to index
      %get3A_144 = tpu.vector_load %arg6[%get3A] {strides = array<i32>} : memref<1024xf32, #tpu.memory_space<vmem>>, vector<16xf32>,
      %get3A_145 = arith.index_cast %mul3A_143 : i32 to index
      %get3A_146 = tpu.vector_load %arg7[%get3A_145] {strides = array<i32>} : memref<1024xf32, #tpu.memory_space<vmem>>, vector<16xf32>,
      %add3A_147 = arith.addf %get3A_144, %get3A_146 : vector<16xf32>
      %swap3A = arith.index_cast %mul3A_143 : i32 to index
      %swap3A_148 = tpu.vector_load %arg6[%swap3A] {strides = array<i32>} : memref<1024xf32, #tpu.memory_space<vmem>>, vector<16xf32>,
      tpu.vector_store %arg6[%swap3A], %add3A_147 {strides = array<i32>} : memref<1024xf32, #tpu.memory_space<vmem>>, vector<16xf32>,
    }
    %scan3A_46 = arith.constant 64 : i32
    %mul3A_47 = arith.constant 1024 : i32
    %mul3A_48 = arith.muli %arg1, %mul3A_47 : i32
    %run_scoped3A_49 = arith.constant 5 : i32
    "tpu.region"() ({
      %run_scoped3A_137 = tpu.sem_alloc : memref<!tpu.dma_semaphore, #tpu.memory_space<semaphore_mem>>
      %dma_start3A = tpu.memref_slice %arg8[%run_scoped3A_49, %mul3A_48] : memref<16x16384xf32, #tpu.memory_space<vmem_shared>> -> memref<1x1024xf32, #tpu.memory_space<vmem_shared>>
      %dma_start3A_138 = tpu.memref_squeeze %dma_start3A : memref<1x1024xf32, #tpu.memory_space<vmem_shared>> -> memref<1024xf32, #tpu.memory_space<vmem_shared>>
      %dma_start3A_139 = tpu.memref_slice %arg8[%run_scoped3A_49, %mul3A_48] : memref<16x16384xf32, #tpu.memory_space<vmem_shared>> -> memref<1x1024xf32, #tpu.memory_space<vmem_shared>>
      %dma_start3A_140 = tpu.memref_squeeze %dma_start3A_139 : memref<1x1024xf32, #tpu.memory_space<vmem_shared>> -> memref<1024xf32, #tpu.memory_space<vmem_shared>>
      tpu.enqueue_dma source(%dma_start3A_140 : memref<1024xf32, #tpu.memory_space<vmem_shared>>) target(%arg7 : memref<1024xf32, #tpu.memory_space<vmem>>) target_semaphore(%run_scoped3A_137 : memref<!tpu.dma_semaphore, #tpu.memory_space<semaphore_mem>>)
      %dma_wait3A = tpu.memref_slice %arg8[%run_scoped3A_49, %mul3A_48] : memref<16x16384xf32, #tpu.memory_space<vmem_shared>> -> memref<1x1024xf32, #tpu.memory_space<vmem_shared>>
      %dma_wait3A_141 = tpu.memref_squeeze %dma_wait3A : memref<1x1024xf32, #tpu.memory_space<vmem_shared>> -> memref<1024xf32, #tpu.memory_space<vmem_shared>>
      %dma_wait3A_142 = tpu.memref_slice %arg8[%run_scoped3A_49, %mul3A_48] : memref<16x16384xf32, #tpu.memory_space<vmem_shared>> -> memref<1x1024xf32, #tpu.memory_space<vmem_shared>>
      %dma_wait3A_143 = tpu.memref_squeeze %dma_wait3A_142 : memref<1x1024xf32, #tpu.memory_space<vmem_shared>> -> memref<1024xf32, #tpu.memory_space<vmem_shared>>
      tpu.wait_dma2 semaphore(%run_scoped3A_137 : memref<!tpu.dma_semaphore, #tpu.memory_space<semaphore_mem>>) src(%dma_wait3A_143 : memref<1024xf32, #tpu.memory_space<vmem_shared>>) dst(%arg7 : memref<1024xf32, #tpu.memory_space<vmem>>)
      tpu.yield
    }) : () -> ()
    %scan3A_50 = arith.constant 0 : i32
    %scan3A_51 = arith.constant 64 : i32
    %scan3A_52 = arith.addi %scan3A_50, %scan3A_51 : i32
    %scan3A_53 = arith.constant 1 : i32
    scf.for %scan3A_137 = %scan3A_50 to %scan3A_52 step %scan3A_53  : i32 {
      %mul3A_138 = arith.constant 1 : i32
      %mul3A_139 = arith.muli %scan3A_137, %mul3A_138 : i32
      %add3A_140 = arith.constant 0 : i32
      %add3A_141 = arith.addi %add3A_140, %mul3A_139 : i32
      %mul3A_142 = arith.constant 16 : i32
      %mul3A_143 = arith.muli %add3A_141, %mul3A_142 : i32
      %get3A = arith.index_cast %mul3A_143 : i32 to index
      %get3A_144 = tpu.vector_load %arg6[%get3A] {strides = array<i32>} : memref<1024xf32, #tpu.memory_space<vmem>>, vector<16xf32>,
      %get3A_145 = arith.index_cast %mul3A_143 : i32 to index
      %get3A_146 = tpu.vector_load %arg7[%get3A_145] {strides = array<i32>} : memref<1024xf32, #tpu.memory_space<vmem>>, vector<16xf32>,
      %add3A_147 = arith.addf %get3A_144, %get3A_146 : vector<16xf32>
      %swap3A = arith.index_cast %mul3A_143 : i32 to index
      %swap3A_148 = tpu.vector_load %arg6[%swap3A] {strides = array<i32>} : memref<1024xf32, #tpu.memory_space<vmem>>, vector<16xf32>,
      tpu.vector_store %arg6[%swap3A], %add3A_147 {strides = array<i32>} : memref<1024xf32, #tpu.memory_space<vmem>>, vector<16xf32>,
    }
    %scan3A_54 = arith.constant 64 : i32
    %mul3A_55 = arith.constant 1024 : i32
    %mul3A_56 = arith.muli %arg1, %mul3A_55 : i32
    %run_scoped3A_57 = arith.constant 6 : i32
    "tpu.region"() ({
      %run_scoped3A_137 = tpu.sem_alloc : memref<!tpu.dma_semaphore, #tpu.memory_space<semaphore_mem>>
      %dma_start3A = tpu.memref_slice %arg8[%run_scoped3A_57, %mul3A_56] : memref<16x16384xf32, #tpu.memory_space<vmem_shared>> -> memref<1x1024xf32, #tpu.memory_space<vmem_shared>>
      %dma_start3A_138 = tpu.memref_squeeze %dma_start3A : memref<1x1024xf32, #tpu.memory_space<vmem_shared>> -> memref<1024xf32, #tpu.memory_space<vmem_shared>>
      %dma_start3A_139 = tpu.memref_slice %arg8[%run_scoped3A_57, %mul3A_56] : memref<16x16384xf32, #tpu.memory_space<vmem_shared>> -> memref<1x1024xf32, #tpu.memory_space<vmem_shared>>
      %dma_start3A_140 = tpu.memref_squeeze %dma_start3A_139 : memref<1x1024xf32, #tpu.memory_space<vmem_shared>> -> memref<1024xf32, #tpu.memory_space<vmem_shared>>
      tpu.enqueue_dma source(%dma_start3A_140 : memref<1024xf32, #tpu.memory_space<vmem_shared>>) target(%arg7 : memref<1024xf32, #tpu.memory_space<vmem>>) target_semaphore(%run_scoped3A_137 : memref<!tpu.dma_semaphore, #tpu.memory_space<semaphore_mem>>)
      %dma_wait3A = tpu.memref_slice %arg8[%run_scoped3A_57, %mul3A_56] : memref<16x16384xf32, #tpu.memory_space<vmem_shared>> -> memref<1x1024xf32, #tpu.memory_space<vmem_shared>>
      %dma_wait3A_141 = tpu.memref_squeeze %dma_wait3A : memref<1x1024xf32, #tpu.memory_space<vmem_shared>> -> memref<1024xf32, #tpu.memory_space<vmem_shared>>
      %dma_wait3A_142 = tpu.memref_slice %arg8[%run_scoped3A_57, %mul3A_56] : memref<16x16384xf32, #tpu.memory_space<vmem_shared>> -> memref<1x1024xf32, #tpu.memory_space<vmem_shared>>
      %dma_wait3A_143 = tpu.memref_squeeze %dma_wait3A_142 : memref<1x1024xf32, #tpu.memory_space<vmem_shared>> -> memref<1024xf32, #tpu.memory_space<vmem_shared>>
      tpu.wait_dma2 semaphore(%run_scoped3A_137 : memref<!tpu.dma_semaphore, #tpu.memory_space<semaphore_mem>>) src(%dma_wait3A_143 : memref<1024xf32, #tpu.memory_space<vmem_shared>>) dst(%arg7 : memref<1024xf32, #tpu.memory_space<vmem>>)
      tpu.yield
    }) : () -> ()
    %scan3A_58 = arith.constant 0 : i32
    %scan3A_59 = arith.constant 64 : i32
    %scan3A_60 = arith.addi %scan3A_58, %scan3A_59 : i32
    %scan3A_61 = arith.constant 1 : i32
    scf.for %scan3A_137 = %scan3A_58 to %scan3A_60 step %scan3A_61  : i32 {
      %mul3A_138 = arith.constant 1 : i32
      %mul3A_139 = arith.muli %scan3A_137, %mul3A_138 : i32
      %add3A_140 = arith.constant 0 : i32
      %add3A_141 = arith.addi %add3A_140, %mul3A_139 : i32
      %mul3A_142 = arith.constant 16 : i32
      %mul3A_143 = arith.muli %add3A_141, %mul3A_142 : i32
      %get3A = arith.index_cast %mul3A_143 : i32 to index
      %get3A_144 = tpu.vector_load %arg6[%get3A] {strides = array<i32>} : memref<1024xf32, #tpu.memory_space<vmem>>, vector<16xf32>,
      %get3A_145 = arith.index_cast %mul3A_143 : i32 to index
      %get3A_146 = tpu.vector_load %arg7[%get3A_145] {strides = array<i32>} : memref<1024xf32, #tpu.memory_space<vmem>>, vector<16xf32>,
      %add3A_147 = arith.addf %get3A_144, %get3A_146 : vector<16xf32>
      %swap3A = arith.index_cast %mul3A_143 : i32 to index
      %swap3A_148 = tpu.vector_load %arg6[%swap3A] {strides = array<i32>} : memref<1024xf32, #tpu.memory_space<vmem>>, vector<16xf32>,
      tpu.vector_store %arg6[%swap3A], %add3A_147 {strides = array<i32>} : memref<1024xf32, #tpu.memory_space<vmem>>, vector<16xf32>,
    }
    %scan3A_62 = arith.constant 64 : i32
    %mul3A_63 = arith.constant 1024 : i32
    %mul3A_64 = arith.muli %arg1, %mul3A_63 : i32
    %run_scoped3A_65 = arith.constant 7 : i32
    "tpu.region"() ({
      %run_scoped3A_137 = tpu.sem_alloc : memref<!tpu.dma_semaphore, #tpu.memory_space<semaphore_mem>>
      %dma_start3A = tpu.memref_slice %arg8[%run_scoped3A_65, %mul3A_64] : memref<16x16384xf32, #tpu.memory_space<vmem_shared>> -> memref<1x1024xf32, #tpu.memory_space<vmem_shared>>
      %dma_start3A_138 = tpu.memref_squeeze %dma_start3A : memref<1x1024xf32, #tpu.memory_space<vmem_shared>> -> memref<1024xf32, #tpu.memory_space<vmem_shared>>
      %dma_start3A_139 = tpu.memref_slice %arg8[%run_scoped3A_65, %mul3A_64] : memref<16x16384xf32, #tpu.memory_space<vmem_shared>> -> memref<1x1024xf32, #tpu.memory_space<vmem_shared>>
      %dma_start3A_140 = tpu.memref_squeeze %dma_start3A_139 : memref<1x1024xf32, #tpu.memory_space<vmem_shared>> -> memref<1024xf32, #tpu.memory_space<vmem_shared>>
      tpu.enqueue_dma source(%dma_start3A_140 : memref<1024xf32, #tpu.memory_space<vmem_shared>>) target(%arg7 : memref<1024xf32, #tpu.memory_space<vmem>>) target_semaphore(%run_scoped3A_137 : memref<!tpu.dma_semaphore, #tpu.memory_space<semaphore_mem>>)
      %dma_wait3A = tpu.memref_slice %arg8[%run_scoped3A_65, %mul3A_64] : memref<16x16384xf32, #tpu.memory_space<vmem_shared>> -> memref<1x1024xf32, #tpu.memory_space<vmem_shared>>
      %dma_wait3A_141 = tpu.memref_squeeze %dma_wait3A : memref<1x1024xf32, #tpu.memory_space<vmem_shared>> -> memref<1024xf32, #tpu.memory_space<vmem_shared>>
      %dma_wait3A_142 = tpu.memref_slice %arg8[%run_scoped3A_65, %mul3A_64] : memref<16x16384xf32, #tpu.memory_space<vmem_shared>> -> memref<1x1024xf32, #tpu.memory_space<vmem_shared>>
      %dma_wait3A_143 = tpu.memref_squeeze %dma_wait3A_142 : memref<1x1024xf32, #tpu.memory_space<vmem_shared>> -> memref<1024xf32, #tpu.memory_space<vmem_shared>>
      tpu.wait_dma2 semaphore(%run_scoped3A_137 : memref<!tpu.dma_semaphore, #tpu.memory_space<semaphore_mem>>) src(%dma_wait3A_143 : memref<1024xf32, #tpu.memory_space<vmem_shared>>) dst(%arg7 : memref<1024xf32, #tpu.memory_space<vmem>>)
      tpu.yield
    }) : () -> ()
    %scan3A_66 = arith.constant 0 : i32
    %scan3A_67 = arith.constant 64 : i32
    %scan3A_68 = arith.addi %scan3A_66, %scan3A_67 : i32
    %scan3A_69 = arith.constant 1 : i32
    scf.for %scan3A_137 = %scan3A_66 to %scan3A_68 step %scan3A_69  : i32 {
      %mul3A_138 = arith.constant 1 : i32
      %mul3A_139 = arith.muli %scan3A_137, %mul3A_138 : i32
      %add3A_140 = arith.constant 0 : i32
      %add3A_141 = arith.addi %add3A_140, %mul3A_139 : i32
      %mul3A_142 = arith.constant 16 : i32
      %mul3A_143 = arith.muli %add3A_141, %mul3A_142 : i32
      %get3A = arith.index_cast %mul3A_143 : i32 to index
      %get3A_144 = tpu.vector_load %arg6[%get3A] {strides = array<i32>} : memref<1024xf32, #tpu.memory_space<vmem>>, vector<16xf32>,
      %get3A_145 = arith.index_cast %mul3A_143 : i32 to index
      %get3A_146 = tpu.vector_load %arg7[%get3A_145] {strides = array<i32>} : memref<1024xf32, #tpu.memory_space<vmem>>, vector<16xf32>,
      %add3A_147 = arith.addf %get3A_144, %get3A_146 : vector<16xf32>
      %swap3A = arith.index_cast %mul3A_143 : i32 to index
      %swap3A_148 = tpu.vector_load %arg6[%swap3A] {strides = array<i32>} : memref<1024xf32, #tpu.memory_space<vmem>>, vector<16xf32>,
      tpu.vector_store %arg6[%swap3A], %add3A_147 {strides = array<i32>} : memref<1024xf32, #tpu.memory_space<vmem>>, vector<16xf32>,
    }
    %scan3A_70 = arith.constant 64 : i32
    %mul3A_71 = arith.constant 1024 : i32
    %mul3A_72 = arith.muli %arg1, %mul3A_71 : i32
    %run_scoped3A_73 = arith.constant 8 : i32
    "tpu.region"() ({
      %run_scoped3A_137 = tpu.sem_alloc : memref<!tpu.dma_semaphore, #tpu.memory_space<semaphore_mem>>
      %dma_start3A = tpu.memref_slice %arg8[%run_scoped3A_73, %mul3A_72] : memref<16x16384xf32, #tpu.memory_space<vmem_shared>> -> memref<1x1024xf32, #tpu.memory_space<vmem_shared>>
      %dma_start3A_138 = tpu.memref_squeeze %dma_start3A : memref<1x1024xf32, #tpu.memory_space<vmem_shared>> -> memref<1024xf32, #tpu.memory_space<vmem_shared>>
      %dma_start3A_139 = tpu.memref_slice %arg8[%run_scoped3A_73, %mul3A_72] : memref<16x16384xf32, #tpu.memory_space<vmem_shared>> -> memref<1x1024xf32, #tpu.memory_space<vmem_shared>>
      %dma_start3A_140 = tpu.memref_squeeze %dma_start3A_139 : memref<1x1024xf32, #tpu.memory_space<vmem_shared>> -> memref<1024xf32, #tpu.memory_space<vmem_shared>>
      tpu.enqueue_dma source(%dma_start3A_140 : memref<1024xf32, #tpu.memory_space<vmem_shared>>) target(%arg7 : memref<1024xf32, #tpu.memory_space<vmem>>) target_semaphore(%run_scoped3A_137 : memref<!tpu.dma_semaphore, #tpu.memory_space<semaphore_mem>>)
      %dma_wait3A = tpu.memref_slice %arg8[%run_scoped3A_73, %mul3A_72] : memref<16x16384xf32, #tpu.memory_space<vmem_shared>> -> memref<1x1024xf32, #tpu.memory_space<vmem_shared>>
      %dma_wait3A_141 = tpu.memref_squeeze %dma_wait3A : memref<1x1024xf32, #tpu.memory_space<vmem_shared>> -> memref<1024xf32, #tpu.memory_space<vmem_shared>>
      %dma_wait3A_142 = tpu.memref_slice %arg8[%run_scoped3A_73, %mul3A_72] : memref<16x16384xf32, #tpu.memory_space<vmem_shared>> -> memref<1x1024xf32, #tpu.memory_space<vmem_shared>>
      %dma_wait3A_143 = tpu.memref_squeeze %dma_wait3A_142 : memref<1x1024xf32, #tpu.memory_space<vmem_shared>> -> memref<1024xf32, #tpu.memory_space<vmem_shared>>
      tpu.wait_dma2 semaphore(%run_scoped3A_137 : memref<!tpu.dma_semaphore, #tpu.memory_space<semaphore_mem>>) src(%dma_wait3A_143 : memref<1024xf32, #tpu.memory_space<vmem_shared>>) dst(%arg7 : memref<1024xf32, #tpu.memory_space<vmem>>)
      tpu.yield
    }) : () -> ()
    %scan3A_74 = arith.constant 0 : i32
    %scan3A_75 = arith.constant 64 : i32
    %scan3A_76 = arith.addi %scan3A_74, %scan3A_75 : i32
    %scan3A_77 = arith.constant 1 : i32
    scf.for %scan3A_137 = %scan3A_74 to %scan3A_76 step %scan3A_77  : i32 {
      %mul3A_138 = arith.constant 1 : i32
      %mul3A_139 = arith.muli %scan3A_137, %mul3A_138 : i32
      %add3A_140 = arith.constant 0 : i32
      %add3A_141 = arith.addi %add3A_140, %mul3A_139 : i32
      %mul3A_142 = arith.constant 16 : i32
      %mul3A_143 = arith.muli %add3A_141, %mul3A_142 : i32
      %get3A = arith.index_cast %mul3A_143 : i32 to index
      %get3A_144 = tpu.vector_load %arg6[%get3A] {strides = array<i32>} : memref<1024xf32, #tpu.memory_space<vmem>>, vector<16xf32>,
      %get3A_145 = arith.index_cast %mul3A_143 : i32 to index
      %get3A_146 = tpu.vector_load %arg7[%get3A_145] {strides = array<i32>} : memref<1024xf32, #tpu.memory_space<vmem>>, vector<16xf32>,
      %add3A_147 = arith.addf %get3A_144, %get3A_146 : vector<16xf32>
      %swap3A = arith.index_cast %mul3A_143 : i32 to index
      %swap3A_148 = tpu.vector_load %arg6[%swap3A] {strides = array<i32>} : memref<1024xf32, #tpu.memory_space<vmem>>, vector<16xf32>,
      tpu.vector_store %arg6[%swap3A], %add3A_147 {strides = array<i32>} : memref<1024xf32, #tpu.memory_space<vmem>>, vector<16xf32>,
    }
    %scan3A_78 = arith.constant 64 : i32
    %mul3A_79 = arith.constant 1024 : i32
    %mul3A_80 = arith.muli %arg1, %mul3A_79 : i32
    %run_scoped3A_81 = arith.constant 9 : i32
    "tpu.region"() ({
      %run_scoped3A_137 = tpu.sem_alloc : memref<!tpu.dma_semaphore, #tpu.memory_space<semaphore_mem>>
      %dma_start3A = tpu.memref_slice %arg8[%run_scoped3A_81, %mul3A_80] : memref<16x16384xf32, #tpu.memory_space<vmem_shared>> -> memref<1x1024xf32, #tpu.memory_space<vmem_shared>>
      %dma_start3A_138 = tpu.memref_squeeze %dma_start3A : memref<1x1024xf32, #tpu.memory_space<vmem_shared>> -> memref<1024xf32, #tpu.memory_space<vmem_shared>>
      %dma_start3A_139 = tpu.memref_slice %arg8[%run_scoped3A_81, %mul3A_80] : memref<16x16384xf32, #tpu.memory_space<vmem_shared>> -> memref<1x1024xf32, #tpu.memory_space<vmem_shared>>
      %dma_start3A_140 = tpu.memref_squeeze %dma_start3A_139 : memref<1x1024xf32, #tpu.memory_space<vmem_shared>> -> memref<1024xf32, #tpu.memory_space<vmem_shared>>
      tpu.enqueue_dma source(%dma_start3A_140 : memref<1024xf32, #tpu.memory_space<vmem_shared>>) target(%arg7 : memref<1024xf32, #tpu.memory_space<vmem>>) target_semaphore(%run_scoped3A_137 : memref<!tpu.dma_semaphore, #tpu.memory_space<semaphore_mem>>)
      %dma_wait3A = tpu.memref_slice %arg8[%run_scoped3A_81, %mul3A_80] : memref<16x16384xf32, #tpu.memory_space<vmem_shared>> -> memref<1x1024xf32, #tpu.memory_space<vmem_shared>>
      %dma_wait3A_141 = tpu.memref_squeeze %dma_wait3A : memref<1x1024xf32, #tpu.memory_space<vmem_shared>> -> memref<1024xf32, #tpu.memory_space<vmem_shared>>
      %dma_wait3A_142 = tpu.memref_slice %arg8[%run_scoped3A_81, %mul3A_80] : memref<16x16384xf32, #tpu.memory_space<vmem_shared>> -> memref<1x1024xf32, #tpu.memory_space<vmem_shared>>
      %dma_wait3A_143 = tpu.memref_squeeze %dma_wait3A_142 : memref<1x1024xf32, #tpu.memory_space<vmem_shared>> -> memref<1024xf32, #tpu.memory_space<vmem_shared>>
      tpu.wait_dma2 semaphore(%run_scoped3A_137 : memref<!tpu.dma_semaphore, #tpu.memory_space<semaphore_mem>>) src(%dma_wait3A_143 : memref<1024xf32, #tpu.memory_space<vmem_shared>>) dst(%arg7 : memref<1024xf32, #tpu.memory_space<vmem>>)
      tpu.yield
    }) : () -> ()
    %scan3A_82 = arith.constant 0 : i32
    %scan3A_83 = arith.constant 64 : i32
    %scan3A_84 = arith.addi %scan3A_82, %scan3A_83 : i32
    %scan3A_85 = arith.constant 1 : i32
    scf.for %scan3A_137 = %scan3A_82 to %scan3A_84 step %scan3A_85  : i32 {
      %mul3A_138 = arith.constant 1 : i32
      %mul3A_139 = arith.muli %scan3A_137, %mul3A_138 : i32
      %add3A_140 = arith.constant 0 : i32
      %add3A_141 = arith.addi %add3A_140, %mul3A_139 : i32
      %mul3A_142 = arith.constant 16 : i32
      %mul3A_143 = arith.muli %add3A_141, %mul3A_142 : i32
      %get3A = arith.index_cast %mul3A_143 : i32 to index
      %get3A_144 = tpu.vector_load %arg6[%get3A] {strides = array<i32>} : memref<1024xf32, #tpu.memory_space<vmem>>, vector<16xf32>,
      %get3A_145 = arith.index_cast %mul3A_143 : i32 to index
      %get3A_146 = tpu.vector_load %arg7[%get3A_145] {strides = array<i32>} : memref<1024xf32, #tpu.memory_space<vmem>>, vector<16xf32>,
      %add3A_147 = arith.addf %get3A_144, %get3A_146 : vector<16xf32>
      %swap3A = arith.index_cast %mul3A_143 : i32 to index
      %swap3A_148 = tpu.vector_load %arg6[%swap3A] {strides = array<i32>} : memref<1024xf32, #tpu.memory_space<vmem>>, vector<16xf32>,
      tpu.vector_store %arg6[%swap3A], %add3A_147 {strides = array<i32>} : memref<1024xf32, #tpu.memory_space<vmem>>, vector<16xf32>,
    }
    %scan3A_86 = arith.constant 64 : i32
    %mul3A_87 = arith.constant 1024 : i32
    %mul3A_88 = arith.muli %arg1, %mul3A_87 : i32
    %run_scoped3A_89 = arith.constant 10 : i32
    "tpu.region"() ({
      %run_scoped3A_137 = tpu.sem_alloc : memref<!tpu.dma_semaphore, #tpu.memory_space<semaphore_mem>>
      %dma_start3A = tpu.memref_slice %arg8[%run_scoped3A_89, %mul3A_88] : memref<16x16384xf32, #tpu.memory_space<vmem_shared>> -> memref<1x1024xf32, #tpu.memory_space<vmem_shared>>
      %dma_start3A_138 = tpu.memref_squeeze %dma_start3A : memref<1x1024xf32, #tpu.memory_space<vmem_shared>> -> memref<1024xf32, #tpu.memory_space<vmem_shared>>
      %dma_start3A_139 = tpu.memref_slice %arg8[%run_scoped3A_89, %mul3A_88] : memref<16x16384xf32, #tpu.memory_space<vmem_shared>> -> memref<1x1024xf32, #tpu.memory_space<vmem_shared>>
      %dma_start3A_140 = tpu.memref_squeeze %dma_start3A_139 : memref<1x1024xf32, #tpu.memory_space<vmem_shared>> -> memref<1024xf32, #tpu.memory_space<vmem_shared>>
      tpu.enqueue_dma source(%dma_start3A_140 : memref<1024xf32, #tpu.memory_space<vmem_shared>>) target(%arg7 : memref<1024xf32, #tpu.memory_space<vmem>>) target_semaphore(%run_scoped3A_137 : memref<!tpu.dma_semaphore, #tpu.memory_space<semaphore_mem>>)
      %dma_wait3A = tpu.memref_slice %arg8[%run_scoped3A_89, %mul3A_88] : memref<16x16384xf32, #tpu.memory_space<vmem_shared>> -> memref<1x1024xf32, #tpu.memory_space<vmem_shared>>
      %dma_wait3A_141 = tpu.memref_squeeze %dma_wait3A : memref<1x1024xf32, #tpu.memory_space<vmem_shared>> -> memref<1024xf32, #tpu.memory_space<vmem_shared>>
      %dma_wait3A_142 = tpu.memref_slice %arg8[%run_scoped3A_89, %mul3A_88] : memref<16x16384xf32, #tpu.memory_space<vmem_shared>> -> memref<1x1024xf32, #tpu.memory_space<vmem_shared>>
      %dma_wait3A_143 = tpu.memref_squeeze %dma_wait3A_142 : memref<1x1024xf32, #tpu.memory_space<vmem_shared>> -> memref<1024xf32, #tpu.memory_space<vmem_shared>>
      tpu.wait_dma2 semaphore(%run_scoped3A_137 : memref<!tpu.dma_semaphore, #tpu.memory_space<semaphore_mem>>) src(%dma_wait3A_143 : memref<1024xf32, #tpu.memory_space<vmem_shared>>) dst(%arg7 : memref<1024xf32, #tpu.memory_space<vmem>>)
      tpu.yield
    }) : () -> ()
    %scan3A_90 = arith.constant 0 : i32
    %scan3A_91 = arith.constant 64 : i32
    %scan3A_92 = arith.addi %scan3A_90, %scan3A_91 : i32
    %scan3A_93 = arith.constant 1 : i32
    scf.for %scan3A_137 = %scan3A_90 to %scan3A_92 step %scan3A_93  : i32 {
      %mul3A_138 = arith.constant 1 : i32
      %mul3A_139 = arith.muli %scan3A_137, %mul3A_138 : i32
      %add3A_140 = arith.constant 0 : i32
      %add3A_141 = arith.addi %add3A_140, %mul3A_139 : i32
      %mul3A_142 = arith.constant 16 : i32
      %mul3A_143 = arith.muli %add3A_141, %mul3A_142 : i32
      %get3A = arith.index_cast %mul3A_143 : i32 to index
      %get3A_144 = tpu.vector_load %arg6[%get3A] {strides = array<i32>} : memref<1024xf32, #tpu.memory_space<vmem>>, vector<16xf32>,
      %get3A_145 = arith.index_cast %mul3A_143 : i32 to index
      %get3A_146 = tpu.vector_load %arg7[%get3A_145] {strides = array<i32>} : memref<1024xf32, #tpu.memory_space<vmem>>, vector<16xf32>,
      %add3A_147 = arith.addf %get3A_144, %get3A_146 : vector<16xf32>
      %swap3A = arith.index_cast %mul3A_143 : i32 to index
      %swap3A_148 = tpu.vector_load %arg6[%swap3A] {strides = array<i32>} : memref<1024xf32, #tpu.memory_space<vmem>>, vector<16xf32>,
      tpu.vector_store %arg6[%swap3A], %add3A_147 {strides = array<i32>} : memref<1024xf32, #tpu.memory_space<vmem>>, vector<16xf32>,
    }
    %scan3A_94 = arith.constant 64 : i32
    %mul3A_95 = arith.constant 1024 : i32
    %mul3A_96 = arith.muli %arg1, %mul3A_95 : i32
    %run_scoped3A_97 = arith.constant 11 : i32
    "tpu.region"() ({
      %run_scoped3A_137 = tpu.sem_alloc : memref<!tpu.dma_semaphore, #tpu.memory_space<semaphore_mem>>
      %dma_start3A = tpu.memref_slice %arg8[%run_scoped3A_97, %mul3A_96] : memref<16x16384xf32, #tpu.memory_space<vmem_shared>> -> memref<1x1024xf32, #tpu.memory_space<vmem_shared>>
      %dma_start3A_138 = tpu.memref_squeeze %dma_start3A : memref<1x1024xf32, #tpu.memory_space<vmem_shared>> -> memref<1024xf32, #tpu.memory_space<vmem_shared>>
      %dma_start3A_139 = tpu.memref_slice %arg8[%run_scoped3A_97, %mul3A_96] : memref<16x16384xf32, #tpu.memory_space<vmem_shared>> -> memref<1x1024xf32, #tpu.memory_space<vmem_shared>>
      %dma_start3A_140 = tpu.memref_squeeze %dma_start3A_139 : memref<1x1024xf32, #tpu.memory_space<vmem_shared>> -> memref<1024xf32, #tpu.memory_space<vmem_shared>>
      tpu.enqueue_dma source(%dma_start3A_140 : memref<1024xf32, #tpu.memory_space<vmem_shared>>) target(%arg7 : memref<1024xf32, #tpu.memory_space<vmem>>) target_semaphore(%run_scoped3A_137 : memref<!tpu.dma_semaphore, #tpu.memory_space<semaphore_mem>>)
      %dma_wait3A = tpu.memref_slice %arg8[%run_scoped3A_97, %mul3A_96] : memref<16x16384xf32, #tpu.memory_space<vmem_shared>> -> memref<1x1024xf32, #tpu.memory_space<vmem_shared>>
      %dma_wait3A_141 = tpu.memref_squeeze %dma_wait3A : memref<1x1024xf32, #tpu.memory_space<vmem_shared>> -> memref<1024xf32, #tpu.memory_space<vmem_shared>>
      %dma_wait3A_142 = tpu.memref_slice %arg8[%run_scoped3A_97, %mul3A_96] : memref<16x16384xf32, #tpu.memory_space<vmem_shared>> -> memref<1x1024xf32, #tpu.memory_space<vmem_shared>>
      %dma_wait3A_143 = tpu.memref_squeeze %dma_wait3A_142 : memref<1x1024xf32, #tpu.memory_space<vmem_shared>> -> memref<1024xf32, #tpu.memory_space<vmem_shared>>
      tpu.wait_dma2 semaphore(%run_scoped3A_137 : memref<!tpu.dma_semaphore, #tpu.memory_space<semaphore_mem>>) src(%dma_wait3A_143 : memref<1024xf32, #tpu.memory_space<vmem_shared>>) dst(%arg7 : memref<1024xf32, #tpu.memory_space<vmem>>)
      tpu.yield
    }) : () -> ()
    %scan3A_98 = arith.constant 0 : i32
    %scan3A_99 = arith.constant 64 : i32
    %scan3A_100 = arith.addi %scan3A_98, %scan3A_99 : i32
    %scan3A_101 = arith.constant 1 : i32
    scf.for %scan3A_137 = %scan3A_98 to %scan3A_100 step %scan3A_101  : i32 {
      %mul3A_138 = arith.constant 1 : i32
      %mul3A_139 = arith.muli %scan3A_137, %mul3A_138 : i32
      %add3A_140 = arith.constant 0 : i32
      %add3A_141 = arith.addi %add3A_140, %mul3A_139 : i32
      %mul3A_142 = arith.constant 16 : i32
      %mul3A_143 = arith.muli %add3A_141, %mul3A_142 : i32
      %get3A = arith.index_cast %mul3A_143 : i32 to index
      %get3A_144 = tpu.vector_load %arg6[%get3A] {strides = array<i32>} : memref<1024xf32, #tpu.memory_space<vmem>>, vector<16xf32>,
      %get3A_145 = arith.index_cast %mul3A_143 : i32 to index
      %get3A_146 = tpu.vector_load %arg7[%get3A_145] {strides = array<i32>} : memref<1024xf32, #tpu.memory_space<vmem>>, vector<16xf32>,
      %add3A_147 = arith.addf %get3A_144, %get3A_146 : vector<16xf32>
      %swap3A = arith.index_cast %mul3A_143 : i32 to index
      %swap3A_148 = tpu.vector_load %arg6[%swap3A] {strides = array<i32>} : memref<1024xf32, #tpu.memory_space<vmem>>, vector<16xf32>,
      tpu.vector_store %arg6[%swap3A], %add3A_147 {strides = array<i32>} : memref<1024xf32, #tpu.memory_space<vmem>>, vector<16xf32>,
    }
    %scan3A_102 = arith.constant 64 : i32
    %mul3A_103 = arith.constant 1024 : i32
    %mul3A_104 = arith.muli %arg1, %mul3A_103 : i32
    %run_scoped3A_105 = arith.constant 12 : i32
    "tpu.region"() ({
      %run_scoped3A_137 = tpu.sem_alloc : memref<!tpu.dma_semaphore, #tpu.memory_space<semaphore_mem>>
      %dma_start3A = tpu.memref_slice %arg8[%run_scoped3A_105, %mul3A_104] : memref<16x16384xf32, #tpu.memory_space<vmem_shared>> -> memref<1x1024xf32, #tpu.memory_space<vmem_shared>>
      %dma_start3A_138 = tpu.memref_squeeze %dma_start3A : memref<1x1024xf32, #tpu.memory_space<vmem_shared>> -> memref<1024xf32, #tpu.memory_space<vmem_shared>>
      %dma_start3A_139 = tpu.memref_slice %arg8[%run_scoped3A_105, %mul3A_104] : memref<16x16384xf32, #tpu.memory_space<vmem_shared>> -> memref<1x1024xf32, #tpu.memory_space<vmem_shared>>
      %dma_start3A_140 = tpu.memref_squeeze %dma_start3A_139 : memref<1x1024xf32, #tpu.memory_space<vmem_shared>> -> memref<1024xf32, #tpu.memory_space<vmem_shared>>
      tpu.enqueue_dma source(%dma_start3A_140 : memref<1024xf32, #tpu.memory_space<vmem_shared>>) target(%arg7 : memref<1024xf32, #tpu.memory_space<vmem>>) target_semaphore(%run_scoped3A_137 : memref<!tpu.dma_semaphore, #tpu.memory_space<semaphore_mem>>)
      %dma_wait3A = tpu.memref_slice %arg8[%run_scoped3A_105, %mul3A_104] : memref<16x16384xf32, #tpu.memory_space<vmem_shared>> -> memref<1x1024xf32, #tpu.memory_space<vmem_shared>>
      %dma_wait3A_141 = tpu.memref_squeeze %dma_wait3A : memref<1x1024xf32, #tpu.memory_space<vmem_shared>> -> memref<1024xf32, #tpu.memory_space<vmem_shared>>
      %dma_wait3A_142 = tpu.memref_slice %arg8[%run_scoped3A_105, %mul3A_104] : memref<16x16384xf32, #tpu.memory_space<vmem_shared>> -> memref<1x1024xf32, #tpu.memory_space<vmem_shared>>
      %dma_wait3A_143 = tpu.memref_squeeze %dma_wait3A_142 : memref<1x1024xf32, #tpu.memory_space<vmem_shared>> -> memref<1024xf32, #tpu.memory_space<vmem_shared>>
      tpu.wait_dma2 semaphore(%run_scoped3A_137 : memref<!tpu.dma_semaphore, #tpu.memory_space<semaphore_mem>>) src(%dma_wait3A_143 : memref<1024xf32, #tpu.memory_space<vmem_shared>>) dst(%arg7 : memref<1024xf32, #tpu.memory_space<vmem>>)
      tpu.yield
    }) : () -> ()
    %scan3A_106 = arith.constant 0 : i32
    %scan3A_107 = arith.constant 64 : i32
    %scan3A_108 = arith.addi %scan3A_106, %scan3A_107 : i32
    %scan3A_109 = arith.constant 1 : i32
    scf.for %scan3A_137 = %scan3A_106 to %scan3A_108 step %scan3A_109  : i32 {
      %mul3A_138 = arith.constant 1 : i32
      %mul3A_139 = arith.muli %scan3A_137, %mul3A_138 : i32
      %add3A_140 = arith.constant 0 : i32
      %add3A_141 = arith.addi %add3A_140, %mul3A_139 : i32
      %mul3A_142 = arith.constant 16 : i32
      %mul3A_143 = arith.muli %add3A_141, %mul3A_142 : i32
      %get3A = arith.index_cast %mul3A_143 : i32 to index
      %get3A_144 = tpu.vector_load %arg6[%get3A] {strides = array<i32>} : memref<1024xf32, #tpu.memory_space<vmem>>, vector<16xf32>,
      %get3A_145 = arith.index_cast %mul3A_143 : i32 to index
      %get3A_146 = tpu.vector_load %arg7[%get3A_145] {strides = array<i32>} : memref<1024xf32, #tpu.memory_space<vmem>>, vector<16xf32>,
      %add3A_147 = arith.addf %get3A_144, %get3A_146 : vector<16xf32>
      %swap3A = arith.index_cast %mul3A_143 : i32 to index
      %swap3A_148 = tpu.vector_load %arg6[%swap3A] {strides = array<i32>} : memref<1024xf32, #tpu.memory_space<vmem>>, vector<16xf32>,
      tpu.vector_store %arg6[%swap3A], %add3A_147 {strides = array<i32>} : memref<1024xf32, #tpu.memory_space<vmem>>, vector<16xf32>,
    }
    %scan3A_110 = arith.constant 64 : i32
    %mul3A_111 = arith.constant 1024 : i32
    %mul3A_112 = arith.muli %arg1, %mul3A_111 : i32
    %run_scoped3A_113 = arith.constant 13 : i32
    "tpu.region"() ({
      %run_scoped3A_137 = tpu.sem_alloc : memref<!tpu.dma_semaphore, #tpu.memory_space<semaphore_mem>>
      %dma_start3A = tpu.memref_slice %arg8[%run_scoped3A_113, %mul3A_112] : memref<16x16384xf32, #tpu.memory_space<vmem_shared>> -> memref<1x1024xf32, #tpu.memory_space<vmem_shared>>
      %dma_start3A_138 = tpu.memref_squeeze %dma_start3A : memref<1x1024xf32, #tpu.memory_space<vmem_shared>> -> memref<1024xf32, #tpu.memory_space<vmem_shared>>
      %dma_start3A_139 = tpu.memref_slice %arg8[%run_scoped3A_113, %mul3A_112] : memref<16x16384xf32, #tpu.memory_space<vmem_shared>> -> memref<1x1024xf32, #tpu.memory_space<vmem_shared>>
      %dma_start3A_140 = tpu.memref_squeeze %dma_start3A_139 : memref<1x1024xf32, #tpu.memory_space<vmem_shared>> -> memref<1024xf32, #tpu.memory_space<vmem_shared>>
      tpu.enqueue_dma source(%dma_start3A_140 : memref<1024xf32, #tpu.memory_space<vmem_shared>>) target(%arg7 : memref<1024xf32, #tpu.memory_space<vmem>>) target_semaphore(%run_scoped3A_137 : memref<!tpu.dma_semaphore, #tpu.memory_space<semaphore_mem>>)
      %dma_wait3A = tpu.memref_slice %arg8[%run_scoped3A_113, %mul3A_112] : memref<16x16384xf32, #tpu.memory_space<vmem_shared>> -> memref<1x1024xf32, #tpu.memory_space<vmem_shared>>
      %dma_wait3A_141 = tpu.memref_squeeze %dma_wait3A : memref<1x1024xf32, #tpu.memory_space<vmem_shared>> -> memref<1024xf32, #tpu.memory_space<vmem_shared>>
      %dma_wait3A_142 = tpu.memref_slice %arg8[%run_scoped3A_113, %mul3A_112] : memref<16x16384xf32, #tpu.memory_space<vmem_shared>> -> memref<1x1024xf32, #tpu.memory_space<vmem_shared>>
      %dma_wait3A_143 = tpu.memref_squeeze %dma_wait3A_142 : memref<1x1024xf32, #tpu.memory_space<vmem_shared>> -> memref<1024xf32, #tpu.memory_space<vmem_shared>>
      tpu.wait_dma2 semaphore(%run_scoped3A_137 : memref<!tpu.dma_semaphore, #tpu.memory_space<semaphore_mem>>) src(%dma_wait3A_143 : memref<1024xf32, #tpu.memory_space<vmem_shared>>) dst(%arg7 : memref<1024xf32, #tpu.memory_space<vmem>>)
      tpu.yield
    }) : () -> ()
    %scan3A_114 = arith.constant 0 : i32
    %scan3A_115 = arith.constant 64 : i32
    %scan3A_116 = arith.addi %scan3A_114, %scan3A_115 : i32
    %scan3A_117 = arith.constant 1 : i32
    scf.for %scan3A_137 = %scan3A_114 to %scan3A_116 step %scan3A_117  : i32 {
      %mul3A_138 = arith.constant 1 : i32
      %mul3A_139 = arith.muli %scan3A_137, %mul3A_138 : i32
      %add3A_140 = arith.constant 0 : i32
      %add3A_141 = arith.addi %add3A_140, %mul3A_139 : i32
      %mul3A_142 = arith.constant 16 : i32
      %mul3A_143 = arith.muli %add3A_141, %mul3A_142 : i32
      %get3A = arith.index_cast %mul3A_143 : i32 to index
      %get3A_144 = tpu.vector_load %arg6[%get3A] {strides = array<i32>} : memref<1024xf32, #tpu.memory_space<vmem>>, vector<16xf32>,
      %get3A_145 = arith.index_cast %mul3A_143 : i32 to index
      %get3A_146 = tpu.vector_load %arg7[%get3A_145] {strides = array<i32>} : memref<1024xf32, #tpu.memory_space<vmem>>, vector<16xf32>,
      %add3A_147 = arith.addf %get3A_144, %get3A_146 : vector<16xf32>
      %swap3A = arith.index_cast %mul3A_143 : i32 to index
      %swap3A_148 = tpu.vector_load %arg6[%swap3A] {strides = array<i32>} : memref<1024xf32, #tpu.memory_space<vmem>>, vector<16xf32>,
      tpu.vector_store %arg6[%swap3A], %add3A_147 {strides = array<i32>} : memref<1024xf32, #tpu.memory_space<vmem>>, vector<16xf32>,
    }
    %scan3A_118 = arith.constant 64 : i32
    %mul3A_119 = arith.constant 1024 : i32
    %mul3A_120 = arith.muli %arg1, %mul3A_119 : i32
    %run_scoped3A_121 = arith.constant 14 : i32
    "tpu.region"() ({
      %run_scoped3A_137 = tpu.sem_alloc : memref<!tpu.dma_semaphore, #tpu.memory_space<semaphore_mem>>
      %dma_start3A = tpu.memref_slice %arg8[%run_scoped3A_121, %mul3A_120] : memref<16x16384xf32, #tpu.memory_space<vmem_shared>> -> memref<1x1024xf32, #tpu.memory_space<vmem_shared>>
      %dma_start3A_138 = tpu.memref_squeeze %dma_start3A : memref<1x1024xf32, #tpu.memory_space<vmem_shared>> -> memref<1024xf32, #tpu.memory_space<vmem_shared>>
      %dma_start3A_139 = tpu.memref_slice %arg8[%run_scoped3A_121, %mul3A_120] : memref<16x16384xf32, #tpu.memory_space<vmem_shared>> -> memref<1x1024xf32, #tpu.memory_space<vmem_shared>>
      %dma_start3A_140 = tpu.memref_squeeze %dma_start3A_139 : memref<1x1024xf32, #tpu.memory_space<vmem_shared>> -> memref<1024xf32, #tpu.memory_space<vmem_shared>>
      tpu.enqueue_dma source(%dma_start3A_140 : memref<1024xf32, #tpu.memory_space<vmem_shared>>) target(%arg7 : memref<1024xf32, #tpu.memory_space<vmem>>) target_semaphore(%run_scoped3A_137 : memref<!tpu.dma_semaphore, #tpu.memory_space<semaphore_mem>>)
      %dma_wait3A = tpu.memref_slice %arg8[%run_scoped3A_121, %mul3A_120] : memref<16x16384xf32, #tpu.memory_space<vmem_shared>> -> memref<1x1024xf32, #tpu.memory_space<vmem_shared>>
      %dma_wait3A_141 = tpu.memref_squeeze %dma_wait3A : memref<1x1024xf32, #tpu.memory_space<vmem_shared>> -> memref<1024xf32, #tpu.memory_space<vmem_shared>>
      %dma_wait3A_142 = tpu.memref_slice %arg8[%run_scoped3A_121, %mul3A_120] : memref<16x16384xf32, #tpu.memory_space<vmem_shared>> -> memref<1x1024xf32, #tpu.memory_space<vmem_shared>>
      %dma_wait3A_143 = tpu.memref_squeeze %dma_wait3A_142 : memref<1x1024xf32, #tpu.memory_space<vmem_shared>> -> memref<1024xf32, #tpu.memory_space<vmem_shared>>
      tpu.wait_dma2 semaphore(%run_scoped3A_137 : memref<!tpu.dma_semaphore, #tpu.memory_space<semaphore_mem>>) src(%dma_wait3A_143 : memref<1024xf32, #tpu.memory_space<vmem_shared>>) dst(%arg7 : memref<1024xf32, #tpu.memory_space<vmem>>)
      tpu.yield
    }) : () -> ()
    %scan3A_122 = arith.constant 0 : i32
    %scan3A_123 = arith.constant 64 : i32
    %scan3A_124 = arith.addi %scan3A_122, %scan3A_123 : i32
    %scan3A_125 = arith.constant 1 : i32
    scf.for %scan3A_137 = %scan3A_122 to %scan3A_124 step %scan3A_125  : i32 {
      %mul3A_138 = arith.constant 1 : i32
      %mul3A_139 = arith.muli %scan3A_137, %mul3A_138 : i32
      %add3A_140 = arith.constant 0 : i32
      %add3A_141 = arith.addi %add3A_140, %mul3A_139 : i32
      %mul3A_142 = arith.constant 16 : i32
      %mul3A_143 = arith.muli %add3A_141, %mul3A_142 : i32
      %get3A = arith.index_cast %mul3A_143 : i32 to index
      %get3A_144 = tpu.vector_load %arg6[%get3A] {strides = array<i32>} : memref<1024xf32, #tpu.memory_space<vmem>>, vector<16xf32>,
      %get3A_145 = arith.index_cast %mul3A_143 : i32 to index
      %get3A_146 = tpu.vector_load %arg7[%get3A_145] {strides = array<i32>} : memref<1024xf32, #tpu.memory_space<vmem>>, vector<16xf32>,
      %add3A_147 = arith.addf %get3A_144, %get3A_146 : vector<16xf32>
      %swap3A = arith.index_cast %mul3A_143 : i32 to index
      %swap3A_148 = tpu.vector_load %arg6[%swap3A] {strides = array<i32>} : memref<1024xf32, #tpu.memory_space<vmem>>, vector<16xf32>,
      tpu.vector_store %arg6[%swap3A], %add3A_147 {strides = array<i32>} : memref<1024xf32, #tpu.memory_space<vmem>>, vector<16xf32>,
    }
    %scan3A_126 = arith.constant 64 : i32
    %mul3A_127 = arith.constant 1024 : i32
    %mul3A_128 = arith.muli %arg1, %mul3A_127 : i32
    %run_scoped3A_129 = arith.constant 15 : i32
    "tpu.region"() ({
      %run_scoped3A_137 = tpu.sem_alloc : memref<!tpu.dma_semaphore, #tpu.memory_space<semaphore_mem>>
      %dma_start3A = tpu.memref_slice %arg8[%run_scoped3A_129, %mul3A_128] : memref<16x16384xf32, #tpu.memory_space<vmem_shared>> -> memref<1x1024xf32, #tpu.memory_space<vmem_shared>>
      %dma_start3A_138 = tpu.memref_squeeze %dma_start3A : memref<1x1024xf32, #tpu.memory_space<vmem_shared>> -> memref<1024xf32, #tpu.memory_space<vmem_shared>>
      %dma_start3A_139 = tpu.memref_slice %arg8[%run_scoped3A_129, %mul3A_128] : memref<16x16384xf32, #tpu.memory_space<vmem_shared>> -> memref<1x1024xf32, #tpu.memory_space<vmem_shared>>
      %dma_start3A_140 = tpu.memref_squeeze %dma_start3A_139 : memref<1x1024xf32, #tpu.memory_space<vmem_shared>> -> memref<1024xf32, #tpu.memory_space<vmem_shared>>
      tpu.enqueue_dma source(%dma_start3A_140 : memref<1024xf32, #tpu.memory_space<vmem_shared>>) target(%arg7 : memref<1024xf32, #tpu.memory_space<vmem>>) target_semaphore(%run_scoped3A_137 : memref<!tpu.dma_semaphore, #tpu.memory_space<semaphore_mem>>)
      %dma_wait3A = tpu.memref_slice %arg8[%run_scoped3A_129, %mul3A_128] : memref<16x16384xf32, #tpu.memory_space<vmem_shared>> -> memref<1x1024xf32, #tpu.memory_space<vmem_shared>>
      %dma_wait3A_141 = tpu.memref_squeeze %dma_wait3A : memref<1x1024xf32, #tpu.memory_space<vmem_shared>> -> memref<1024xf32, #tpu.memory_space<vmem_shared>>
      %dma_wait3A_142 = tpu.memref_slice %arg8[%run_scoped3A_129, %mul3A_128] : memref<16x16384xf32, #tpu.memory_space<vmem_shared>> -> memref<1x1024xf32, #tpu.memory_space<vmem_shared>>
      %dma_wait3A_143 = tpu.memref_squeeze %dma_wait3A_142 : memref<1x1024xf32, #tpu.memory_space<vmem_shared>> -> memref<1024xf32, #tpu.memory_space<vmem_shared>>
      tpu.wait_dma2 semaphore(%run_scoped3A_137 : memref<!tpu.dma_semaphore, #tpu.memory_space<semaphore_mem>>) src(%dma_wait3A_143 : memref<1024xf32, #tpu.memory_space<vmem_shared>>) dst(%arg7 : memref<1024xf32, #tpu.memory_space<vmem>>)
      tpu.yield
    }) : () -> ()
    %scan3A_130 = arith.constant 0 : i32
    %scan3A_131 = arith.constant 64 : i32
    %scan3A_132 = arith.addi %scan3A_130, %scan3A_131 : i32
    %scan3A_133 = arith.constant 1 : i32
    scf.for %scan3A_137 = %scan3A_130 to %scan3A_132 step %scan3A_133  : i32 {
      %mul3A_138 = arith.constant 1 : i32
      %mul3A_139 = arith.muli %scan3A_137, %mul3A_138 : i32
      %add3A_140 = arith.constant 0 : i32
      %add3A_141 = arith.addi %add3A_140, %mul3A_139 : i32
      %mul3A_142 = arith.constant 16 : i32
      %mul3A_143 = arith.muli %add3A_141, %mul3A_142 : i32
      %get3A = arith.index_cast %mul3A_143 : i32 to index
      %get3A_144 = tpu.vector_load %arg6[%get3A] {strides = array<i32>} : memref<1024xf32, #tpu.memory_space<vmem>>, vector<16xf32>,
      %get3A_145 = arith.index_cast %mul3A_143 : i32 to index
      %get3A_146 = tpu.vector_load %arg7[%get3A_145] {strides = array<i32>} : memref<1024xf32, #tpu.memory_space<vmem>>, vector<16xf32>,
      %add3A_147 = arith.addf %get3A_144, %get3A_146 : vector<16xf32>
      %swap3A = arith.index_cast %mul3A_143 : i32 to index
      %swap3A_148 = tpu.vector_load %arg6[%swap3A] {strides = array<i32>} : memref<1024xf32, #tpu.memory_space<vmem>>, vector<16xf32>,
      tpu.vector_store %arg6[%swap3A], %add3A_147 {strides = array<i32>} : memref<1024xf32, #tpu.memory_space<vmem>>, vector<16xf32>,
    }
    %scan3A_134 = arith.constant 64 : i32
    %mul3A_135 = arith.constant 1024 : i32
    %mul3A_136 = arith.muli %arg1, %mul3A_135 : i32
    "tpu.region"() ({
      %run_scoped3A_137 = tpu.sem_alloc : memref<!tpu.dma_semaphore, #tpu.memory_space<semaphore_mem>>
      %dma_start3A = tpu.memref_slice %arg3[%arg0, %mul3A_136] : memref<2x16384xf32, #tpu.memory_space<hbm>> -> memref<1x1024xf32, #tpu.memory_space<hbm>>
      %dma_start3A_138 = tpu.memref_squeeze %dma_start3A : memref<1x1024xf32, #tpu.memory_space<hbm>> -> memref<1024xf32, #tpu.memory_space<hbm>>
      %dma_start3A_139 = tpu.memref_slice %arg3[%arg0, %mul3A_136] : memref<2x16384xf32, #tpu.memory_space<hbm>> -> memref<1x1024xf32, #tpu.memory_space<hbm>>
      %dma_start3A_140 = tpu.memref_squeeze %dma_start3A_139 : memref<1x1024xf32, #tpu.memory_space<hbm>> -> memref<1024xf32, #tpu.memory_space<hbm>>
      tpu.enqueue_dma source(%arg6 : memref<1024xf32, #tpu.memory_space<vmem>>) target(%dma_start3A_140 : memref<1024xf32, #tpu.memory_space<hbm>>) target_semaphore(%run_scoped3A_137 : memref<!tpu.dma_semaphore, #tpu.memory_space<semaphore_mem>>)
      %dma_wait3A = tpu.memref_slice %arg3[%arg0, %mul3A_136] : memref<2x16384xf32, #tpu.memory_space<hbm>> -> memref<1x1024xf32, #tpu.memory_space<hbm>>
      %dma_wait3A_141 = tpu.memref_squeeze %dma_wait3A : memref<1x1024xf32, #tpu.memory_space<hbm>> -> memref<1024xf32, #tpu.memory_space<hbm>>
      %dma_wait3A_142 = tpu.memref_slice %arg3[%arg0, %mul3A_136] : memref<2x16384xf32, #tpu.memory_space<hbm>> -> memref<1x1024xf32, #tpu.memory_space<hbm>>
      %dma_wait3A_143 = tpu.memref_squeeze %dma_wait3A_142 : memref<1x1024xf32, #tpu.memory_space<hbm>> -> memref<1024xf32, #tpu.memory_space<hbm>>
      tpu.wait_dma2 semaphore(%run_scoped3A_137 : memref<!tpu.dma_semaphore, #tpu.memory_space<semaphore_mem>>) src(%arg6 : memref<1024xf32, #tpu.memory_space<vmem>>) dst(%dma_wait3A_143 : memref<1024xf32, #tpu.memory_space<hbm>>)
      tpu.yield
    }) : () -> ()
    return
  }
}

#map = affine_map<(d0, d1) -> (0, 0)>
#map1 = affine_map<(d0, d1) -> (0, 0, 0)>
module attributes {stable_mosaic.version = 14 : i64} {
  func.func @_sc_aggregate(%arg0: i32, %arg1: i32, %arg2: memref<10000x128xf32, #tpu.memory_space<hbm>>, %arg3: memref<32x79x128xi32, #tpu.memory_space<hbm>>, %arg4: memref<32x79x128xi32, #tpu.memory_space<hbm>>, %arg5: memref<632x128xf32, #tpu.memory_space<hbm>>, %arg6: memref<2x10112x128xf32, #tpu.memory_space<hbm>>, %arg7: memref<79x128xi32, #tpu.memory_space<vmem>>, %arg8: memref<79x128xi32, #tpu.memory_space<vmem>>, %arg9: memref<128x128xf32, #tpu.memory_space<vmem>>, %arg10: memref<10112x128xf32, #tpu.memory_space<vmem_shared>>, %arg11: memref<!tpu.dma_semaphore, #tpu.memory_space<semaphore_mem>>) attributes {dimension_semantics = [#tpu.dimension_semantics<core_parallel>, #tpu.dimension_semantics<subcore_parallel>], iteration_bounds = array<i64: 2, 16>, scalar_prefetch = 0 : i64, scratch_operands = 5 : i64, tpu.core_type = #tpu.core_type<sc_vector_subcore>, window_params = [{transform_indices = #map}, {transform_indices = #map1}, {transform_indices = #map1}, {transform_indices = #map}, {transform_indices = #map1}]} {
    %mul3A = arith.constant 2 : i32
    %mul3A_0 = arith.muli %arg1, %mul3A : i32
    %add3A = arith.addi %mul3A_0, %arg0 : i32
    %mul3A_1 = arith.constant 632 : i32
    %mul3A_2 = arith.muli %arg1, %mul3A_1 : i32
    "tpu.region"() ({
      %run_scoped3A = tpu.sem_alloc : memref<!tpu.dma_semaphore, #tpu.memory_space<semaphore_mem>>
      %dma_start3A = arith.constant 0 : i32
      %dma_start3A_12 = tpu.memref_slice %arg10[%mul3A_2, %dma_start3A] : memref<10112x128xf32, #tpu.memory_space<vmem_shared>> -> memref<632x128xf32, #tpu.memory_space<vmem_shared>>
      tpu.enqueue_dma source(%arg5 : memref<632x128xf32, #tpu.memory_space<hbm>>) target(%dma_start3A_12 : memref<632x128xf32, #tpu.memory_space<vmem_shared>>) target_semaphore(%run_scoped3A : memref<!tpu.dma_semaphore, #tpu.memory_space<semaphore_mem>>)
      %dma_wait3A = arith.constant 0 : i32
      %dma_wait3A_13 = tpu.memref_slice %arg10[%mul3A_2, %dma_wait3A] : memref<10112x128xf32, #tpu.memory_space<vmem_shared>> -> memref<632x128xf32, #tpu.memory_space<vmem_shared>>
      tpu.wait_dma2 semaphore(%run_scoped3A : memref<!tpu.dma_semaphore, #tpu.memory_space<semaphore_mem>>) src(%arg5 : memref<632x128xf32, #tpu.memory_space<hbm>>) dst(%dma_wait3A_13 : memref<632x128xf32, #tpu.memory_space<vmem_shared>>)
      tpu.yield
    }) : () -> ()
    "tpu.region"() ({
      %run_scoped3A = tpu.sem_alloc : memref<!tpu.dma_semaphore, #tpu.memory_space<semaphore_mem>>
      %dma_start3A = arith.constant 0 : i32
      %dma_start3A_12 = arith.constant 0 : i32
      %dma_start3A_13 = tpu.memref_slice %arg3[%add3A, %dma_start3A, %dma_start3A_12] : memref<32x79x128xi32, #tpu.memory_space<hbm>> -> memref<1x79x128xi32, #tpu.memory_space<hbm>>
      %dma_start3A_14 = tpu.memref_squeeze %dma_start3A_13 : memref<1x79x128xi32, #tpu.memory_space<hbm>> -> memref<79x128xi32, #tpu.memory_space<hbm>>
      %dma_start3A_15 = arith.constant 0 : i32
      %dma_start3A_16 = arith.constant 0 : i32
      %dma_start3A_17 = tpu.memref_slice %arg3[%add3A, %dma_start3A_15, %dma_start3A_16] : memref<32x79x128xi32, #tpu.memory_space<hbm>> -> memref<1x79x128xi32, #tpu.memory_space<hbm>>
      %dma_start3A_18 = tpu.memref_squeeze %dma_start3A_17 : memref<1x79x128xi32, #tpu.memory_space<hbm>> -> memref<79x128xi32, #tpu.memory_space<hbm>>
      tpu.enqueue_dma source(%dma_start3A_18 : memref<79x128xi32, #tpu.memory_space<hbm>>) target(%arg7 : memref<79x128xi32, #tpu.memory_space<vmem>>) target_semaphore(%run_scoped3A : memref<!tpu.dma_semaphore, #tpu.memory_space<semaphore_mem>>)
      %dma_wait3A = arith.constant 0 : i32
      %dma_wait3A_19 = arith.constant 0 : i32
      %dma_wait3A_20 = tpu.memref_slice %arg3[%add3A, %dma_wait3A, %dma_wait3A_19] : memref<32x79x128xi32, #tpu.memory_space<hbm>> -> memref<1x79x128xi32, #tpu.memory_space<hbm>>
      %dma_wait3A_21 = tpu.memref_squeeze %dma_wait3A_20 : memref<1x79x128xi32, #tpu.memory_space<hbm>> -> memref<79x128xi32, #tpu.memory_space<hbm>>
      %dma_wait3A_22 = arith.constant 0 : i32
      %dma_wait3A_23 = arith.constant 0 : i32
      %dma_wait3A_24 = tpu.memref_slice %arg3[%add3A, %dma_wait3A_22, %dma_wait3A_23] : memref<32x79x128xi32, #tpu.memory_space<hbm>> -> memref<1x79x128xi32, #tpu.memory_space<hbm>>
      %dma_wait3A_25 = tpu.memref_squeeze %dma_wait3A_24 : memref<1x79x128xi32, #tpu.memory_space<hbm>> -> memref<79x128xi32, #tpu.memory_space<hbm>>
      tpu.wait_dma2 semaphore(%run_scoped3A : memref<!tpu.dma_semaphore, #tpu.memory_space<semaphore_mem>>) src(%dma_wait3A_25 : memref<79x128xi32, #tpu.memory_space<hbm>>) dst(%arg7 : memref<79x128xi32, #tpu.memory_space<vmem>>)
      tpu.yield
    }) : () -> ()
    "tpu.region"() ({
      %run_scoped3A = tpu.sem_alloc : memref<!tpu.dma_semaphore, #tpu.memory_space<semaphore_mem>>
      %dma_start3A = arith.constant 0 : i32
      %dma_start3A_12 = arith.constant 0 : i32
      %dma_start3A_13 = tpu.memref_slice %arg4[%add3A, %dma_start3A, %dma_start3A_12] : memref<32x79x128xi32, #tpu.memory_space<hbm>> -> memref<1x79x128xi32, #tpu.memory_space<hbm>>
      %dma_start3A_14 = tpu.memref_squeeze %dma_start3A_13 : memref<1x79x128xi32, #tpu.memory_space<hbm>> -> memref<79x128xi32, #tpu.memory_space<hbm>>
      %dma_start3A_15 = arith.constant 0 : i32
      %dma_start3A_16 = arith.constant 0 : i32
      %dma_start3A_17 = tpu.memref_slice %arg4[%add3A, %dma_start3A_15, %dma_start3A_16] : memref<32x79x128xi32, #tpu.memory_space<hbm>> -> memref<1x79x128xi32, #tpu.memory_space<hbm>>
      %dma_start3A_18 = tpu.memref_squeeze %dma_start3A_17 : memref<1x79x128xi32, #tpu.memory_space<hbm>> -> memref<79x128xi32, #tpu.memory_space<hbm>>
      tpu.enqueue_dma source(%dma_start3A_18 : memref<79x128xi32, #tpu.memory_space<hbm>>) target(%arg8 : memref<79x128xi32, #tpu.memory_space<vmem>>) target_semaphore(%run_scoped3A : memref<!tpu.dma_semaphore, #tpu.memory_space<semaphore_mem>>)
      %dma_wait3A = arith.constant 0 : i32
      %dma_wait3A_19 = arith.constant 0 : i32
      %dma_wait3A_20 = tpu.memref_slice %arg4[%add3A, %dma_wait3A, %dma_wait3A_19] : memref<32x79x128xi32, #tpu.memory_space<hbm>> -> memref<1x79x128xi32, #tpu.memory_space<hbm>>
      %dma_wait3A_21 = tpu.memref_squeeze %dma_wait3A_20 : memref<1x79x128xi32, #tpu.memory_space<hbm>> -> memref<79x128xi32, #tpu.memory_space<hbm>>
      %dma_wait3A_22 = arith.constant 0 : i32
      %dma_wait3A_23 = arith.constant 0 : i32
      %dma_wait3A_24 = tpu.memref_slice %arg4[%add3A, %dma_wait3A_22, %dma_wait3A_23] : memref<32x79x128xi32, #tpu.memory_space<hbm>> -> memref<1x79x128xi32, #tpu.memory_space<hbm>>
      %dma_wait3A_25 = tpu.memref_squeeze %dma_wait3A_24 : memref<1x79x128xi32, #tpu.memory_space<hbm>> -> memref<79x128xi32, #tpu.memory_space<hbm>>
      tpu.wait_dma2 semaphore(%run_scoped3A : memref<!tpu.dma_semaphore, #tpu.memory_space<semaphore_mem>>) src(%dma_wait3A_25 : memref<79x128xi32, #tpu.memory_space<hbm>>) dst(%arg8 : memref<79x128xi32, #tpu.memory_space<vmem>>)
      tpu.yield
    }) : () -> ()
    %barrier3A = arith.constant 0 : index
    tpu.barrier barrier_id(%barrier3A)
    %scan3A = arith.constant 0 : i32
    %scan3A_3 = arith.constant 79 : i32
    %scan3A_4 = arith.addi %scan3A, %scan3A_3 : i32
    %scan3A_5 = arith.constant 1 : i32
    scf.for %scan3A_12 = %scan3A to %scan3A_4 step %scan3A_5  : i32 {
      %mul3A_13 = arith.constant 1 : i32
      %mul3A_14 = arith.muli %scan3A_12, %mul3A_13 : i32
      %add3A_15 = arith.constant 0 : i32
      %add3A_16 = arith.addi %add3A_15, %mul3A_14 : i32
      %dma_start3A = arith.constant 0 : i32
      %dma_start3A_17 = tpu.memref_slice %arg7[%add3A_16, %dma_start3A] : memref<79x128xi32, #tpu.memory_space<vmem>> -> memref<1x128xi32, #tpu.memory_space<vmem>>
      %dma_start3A_18 = tpu.memref_squeeze %dma_start3A_17 : memref<1x128xi32, #tpu.memory_space<vmem>> -> memref<128xi32, #tpu.memory_space<vmem>>
      %dma_start3A_19 = arith.constant 0 : i32
      %dma_start3A_20 = arith.constant 0 : i32
      %dma_start3A_21 = tpu.memref_slice %arg2[%dma_start3A_19, %dma_start3A_20] : memref<10000x128xf32, #tpu.memory_space<hbm>> -> memref<10000x128xf32, #tpu.memory_space<hbm>>
      tpu.enqueue_indirect_dma source(%dma_start3A_21 : memref<10000x128xf32, #tpu.memory_space<hbm>>) target(%arg9 : memref<128x128xf32, #tpu.memory_space<vmem>>) offsets(%dma_start3A_18 : memref<128xi32, #tpu.memory_space<vmem>>) semaphore(%arg11 : memref<!tpu.dma_semaphore, #tpu.memory_space<semaphore_mem>>)
      %dma_wait3A = arith.constant 0 : i32
      %dma_wait3A_22 = tpu.memref_slice %arg7[%add3A_16, %dma_wait3A] : memref<79x128xi32, #tpu.memory_space<vmem>> -> memref<1x128xi32, #tpu.memory_space<vmem>>
      %dma_wait3A_23 = tpu.memref_squeeze %dma_wait3A_22 : memref<1x128xi32, #tpu.memory_space<vmem>> -> memref<128xi32, #tpu.memory_space<vmem>>
      %dma_wait3A_24 = arith.constant 0 : i32
      %dma_wait3A_25 = arith.constant 0 : i32
      %dma_wait3A_26 = tpu.memref_slice %arg2[%dma_wait3A_24, %dma_wait3A_25] : memref<10000x128xf32, #tpu.memory_space<hbm>> -> memref<10000x128xf32, #tpu.memory_space<hbm>>
      tpu.wait_indirect_dma semaphore(%arg11 : memref<!tpu.dma_semaphore, #tpu.memory_space<semaphore_mem>>) src(%dma_wait3A_26 : memref<10000x128xf32, #tpu.memory_space<hbm>>) dst(%arg9 : memref<128x128xf32, #tpu.memory_space<vmem>>)
      "tpu.region"() ({
        %run_scoped3A = tpu.sem_alloc : memref<!tpu.dma_semaphore, #tpu.memory_space<semaphore_mem>>
        %dma_start3A_27 = arith.constant 0 : i32
        %dma_start3A_28 = tpu.memref_slice %arg8[%add3A_16, %dma_start3A_27] : memref<79x128xi32, #tpu.memory_space<vmem>> -> memref<1x128xi32, #tpu.memory_space<vmem>>
        %dma_start3A_29 = tpu.memref_squeeze %dma_start3A_28 : memref<1x128xi32, #tpu.memory_space<vmem>> -> memref<128xi32, #tpu.memory_space<vmem>>
        %dma_start3A_30 = arith.constant 0 : i32
        %dma_start3A_31 = arith.constant 0 : i32
        %dma_start3A_32 = tpu.memref_slice %arg10[%dma_start3A_30, %dma_start3A_31] : memref<10112x128xf32, #tpu.memory_space<vmem_shared>> -> memref<10112x128xf32, #tpu.memory_space<vmem_shared>>
        tpu.enqueue_indirect_dma source(%arg9 : memref<128x128xf32, #tpu.memory_space<vmem>>) target(%dma_start3A_32 : memref<10112x128xf32, #tpu.memory_space<vmem_shared>>) offsets(%dma_start3A_29 : memref<128xi32, #tpu.memory_space<vmem>>) semaphore(%run_scoped3A : memref<!tpu.dma_semaphore, #tpu.memory_space<semaphore_mem>>) {add = true}
        %dma_wait3A_33 = arith.constant 0 : i32
        %dma_wait3A_34 = tpu.memref_slice %arg8[%add3A_16, %dma_wait3A_33] : memref<79x128xi32, #tpu.memory_space<vmem>> -> memref<1x128xi32, #tpu.memory_space<vmem>>
        %dma_wait3A_35 = tpu.memref_squeeze %dma_wait3A_34 : memref<1x128xi32, #tpu.memory_space<vmem>> -> memref<128xi32, #tpu.memory_space<vmem>>
        %dma_wait3A_36 = arith.constant 0 : i32
        %dma_wait3A_37 = arith.constant 0 : i32
        %dma_wait3A_38 = tpu.memref_slice %arg10[%dma_wait3A_36, %dma_wait3A_37] : memref<10112x128xf32, #tpu.memory_space<vmem_shared>> -> memref<10112x128xf32, #tpu.memory_space<vmem_shared>>
        tpu.wait_indirect_dma semaphore(%run_scoped3A : memref<!tpu.dma_semaphore, #tpu.memory_space<semaphore_mem>>) src(%arg9 : memref<128x128xf32, #tpu.memory_space<vmem>>) dst(%dma_wait3A_38 : memref<10112x128xf32, #tpu.memory_space<vmem_shared>>)
        tpu.yield
      }) : () -> ()
    }
    %scan3A_6 = arith.constant 79 : i32
    %barrier3A_7 = arith.constant 0 : index
    tpu.barrier barrier_id(%barrier3A_7)
    %mul3A_8 = arith.constant 632 : i32
    %mul3A_9 = arith.muli %arg1, %mul3A_8 : i32
    %mul3A_10 = arith.constant 632 : i32
    %mul3A_11 = arith.muli %arg1, %mul3A_10 : i32
    "tpu.region"() ({
      %run_scoped3A = tpu.sem_alloc : memref<!tpu.dma_semaphore, #tpu.memory_space<semaphore_mem>>
      %dma_start3A = arith.constant 0 : i32
      %dma_start3A_12 = tpu.memref_slice %arg6[%arg0, %mul3A_11, %dma_start3A] : memref<2x10112x128xf32, #tpu.memory_space<hbm>> -> memref<1x632x128xf32, #tpu.memory_space<hbm>>
      %dma_start3A_13 = tpu.memref_squeeze %dma_start3A_12 : memref<1x632x128xf32, #tpu.memory_space<hbm>> -> memref<632x128xf32, #tpu.memory_space<hbm>>
      %dma_start3A_14 = arith.constant 0 : i32
      %dma_start3A_15 = tpu.memref_slice %arg10[%mul3A_9, %dma_start3A_14] : memref<10112x128xf32, #tpu.memory_space<vmem_shared>> -> memref<632x128xf32, #tpu.memory_space<vmem_shared>>
      tpu.enqueue_dma source(%dma_start3A_15 : memref<632x128xf32, #tpu.memory_space<vmem_shared>>) target(%dma_start3A_13 : memref<632x128xf32, #tpu.memory_space<hbm>>) target_semaphore(%run_scoped3A : memref<!tpu.dma_semaphore, #tpu.memory_space<semaphore_mem>>)
      %dma_wait3A = arith.constant 0 : i32
      %dma_wait3A_16 = tpu.memref_slice %arg6[%arg0, %mul3A_11, %dma_wait3A] : memref<2x10112x128xf32, #tpu.memory_space<hbm>> -> memref<1x632x128xf32, #tpu.memory_space<hbm>>
      %dma_wait3A_17 = tpu.memref_squeeze %dma_wait3A_16 : memref<1x632x128xf32, #tpu.memory_space<hbm>> -> memref<632x128xf32, #tpu.memory_space<hbm>>
      %dma_wait3A_18 = arith.constant 0 : i32
      %dma_wait3A_19 = tpu.memref_slice %arg10[%mul3A_9, %dma_wait3A_18] : memref<10112x128xf32, #tpu.memory_space<vmem_shared>> -> memref<632x128xf32, #tpu.memory_space<vmem_shared>>
      tpu.wait_dma2 semaphore(%run_scoped3A : memref<!tpu.dma_semaphore, #tpu.memory_space<semaphore_mem>>) src(%dma_wait3A_19 : memref<632x128xf32, #tpu.memory_space<vmem_shared>>) dst(%dma_wait3A_17 : memref<632x128xf32, #tpu.memory_space<hbm>>)
      tpu.yield
    }) : () -> ()
    return
  }
}

module attributes {stable_mosaic.version = 14 : i64} {
  func.func @_tc_scale_matmul_body(%arg0: i32, %arg1: memref<1000x128xf32, #tpu.memory_space<vmem>>, %arg2: memref<128x128xf32, #tpu.memory_space<vmem>>, %arg3: memref<1000x1xf32, #tpu.memory_space<vmem>>, %arg4: memref<1000x1xf32, #tpu.memory_space<vmem>>, %arg5: memref<1000x128xf32, #tpu.memory_space<vmem>>) attributes {dimension_semantics = [#tpu.dimension_semantics<arbitrary>], iteration_bounds = array<i64: 10>, scalar_prefetch = 0 : i64, scratch_operands = 0 : i64, tpu.core_type = #tpu.core_type<tc>, window_params = [{transform_indices = @transform_0, window_bounds = array<i64: 1000, 128>}, {pipeline_mode = #tpu.pipeline_mode<synchronous>, transform_indices = @transform_1, window_bounds = array<i64: 128, 128>}, {transform_indices = @transform_2, window_bounds = array<i64: 1000, 1>}, {transform_indices = @transform_3, window_bounds = array<i64: 1000, 1>}, {transform_indices = @transform_4, window_bounds = array<i64: 1000, 128>}]} {
    %get3A = arith.constant 0 : index
    %get3A_0 = arith.constant 0 : index
    %get3A_1 = vector.load %arg3[%get3A, %get3A_0] : memref<1000x1xf32, #tpu.memory_space<vmem>>, vector<1000x1xf32>
    %get3A_2 = arith.constant 0 : index
    %get3A_3 = arith.constant 0 : index
    %get3A_4 = vector.load %arg4[%get3A_2, %get3A_3] : memref<1000x1xf32, #tpu.memory_space<vmem>>, vector<1000x1xf32>
    %add3A = arith.addf %get3A_1, %get3A_4 : vector<1000x1xf32>
    %add3A_5 = arith.constant 1.000000e+00 : f32
    %add3A_6 = vector.broadcast %add3A_5 : f32 to vector<1000x1xf32>
    %add3A_7 = arith.addf %add3A, %add3A_6 : vector<1000x1xf32>
    %rsqrt3A = math.rsqrt %add3A_7 : vector<1000x1xf32>
    %get3A_8 = arith.constant 0 : index
    %get3A_9 = arith.constant 0 : index
    %get3A_10 = vector.load %arg1[%get3A_8, %get3A_9] : memref<1000x128xf32, #tpu.memory_space<vmem>>, vector<1000x128xf32>
    %get3A_11 = arith.constant 0 : index
    %get3A_12 = arith.constant 0 : index
    %get3A_13 = vector.load %arg2[%get3A_11, %get3A_12] : memref<128x128xf32, #tpu.memory_space<vmem>>, vector<128x128xf32>
    %dot_general3A = arith.constant dense<0.000000e+00> : vector<1000x128xf32>
    %dot_general3A_14 = tpu.matmul %get3A_10, %get3A_13, %dot_general3A {dimension_numbers = #tpu.dot_dimension_numbers<[1], [0], [0], [1], [0, 0, 1, 1], [], []>, transpose_lhs_hint = false} : vector<1000x128xf32>, vector<128x128xf32>, vector<1000x128xf32> -> vector<1000x128xf32>
    %mul3A = vector.broadcast %rsqrt3A : vector<1000x1xf32> to vector<1000x128xf32>
    %mul3A_15 = arith.mulf %mul3A, %dot_general3A_14 : vector<1000x128xf32>
    %swap3A = arith.constant 0 : index
    %swap3A_16 = arith.constant 0 : index
    %swap3A_17 = vector.load %arg5[%swap3A, %swap3A_16] : memref<1000x128xf32, #tpu.memory_space<vmem>>, vector<1000x128xf32>
    tpu.vector_store %arg5[%swap3A, %swap3A_16], %mul3A_15 {strides = array<i32>} : memref<1000x128xf32, #tpu.memory_space<vmem>>, vector<1000x128xf32>,
    return
  }
  func.func @transform_0(%arg0: i32) -> (i32, i32) {
    %c0_i32 = arith.constant 0 : i32
    %c0_i32_0 = arith.constant 0 : i32
    return %arg0, %c0_i32 : i32, i32
  }
  func.func @transform_1(%arg0: i32) -> (i32, i32) {
    %c0_i32 = arith.constant 0 : i32
    %c0_i32_0 = arith.constant 0 : i32
    %c0_i32_1 = arith.constant 0 : i32
    return %c0_i32, %c0_i32_0 : i32, i32
  }
  func.func @transform_2(%arg0: i32) -> (i32, i32) {
    %c0_i32 = arith.constant 0 : i32
    %c0_i32_0 = arith.constant 0 : i32
    return %arg0, %c0_i32 : i32, i32
  }
  func.func @transform_3(%arg0: i32) -> (i32, i32) {
    %c0_i32 = arith.constant 0 : i32
    %c0_i32_0 = arith.constant 0 : i32
    return %arg0, %c0_i32 : i32, i32
  }
  func.func @transform_4(%arg0: i32) -> (i32, i32) {
    %c0_i32 = arith.constant 0 : i32
    %c0_i32_0 = arith.constant 0 : i32
    return %arg0, %c0_i32 : i32, i32
  }
}

module attributes {stable_mosaic.version = 14 : i64} {
  func.func @_tc_finalize_body(%arg0: i32, %arg1: memref<1000x128xf32, #tpu.memory_space<vmem>>, %arg2: memref<1000x128xf32, #tpu.memory_space<vmem>>, %arg3: memref<1000x128xf32, #tpu.memory_space<vmem>>, %arg4: memref<1000x1xf32, #tpu.memory_space<vmem>>, %arg5: memref<1000x1xf32, #tpu.memory_space<vmem>>, %arg6: memref<1x128xf32, #tpu.memory_space<vmem>>, %arg7: memref<1000x128xf32, #tpu.memory_space<vmem>>) attributes {dimension_semantics = [#tpu.dimension_semantics<arbitrary>], iteration_bounds = array<i64: 10>, scalar_prefetch = 0 : i64, scratch_operands = 0 : i64, tpu.core_type = #tpu.core_type<tc>, window_params = [{transform_indices = @transform_0, window_bounds = array<i64: 1000, 128>}, {transform_indices = @transform_1, window_bounds = array<i64: 1000, 128>}, {transform_indices = @transform_2, window_bounds = array<i64: 1000, 128>}, {transform_indices = @transform_3, window_bounds = array<i64: 1000, 1>}, {transform_indices = @transform_4, window_bounds = array<i64: 1000, 1>}, {pipeline_mode = #tpu.pipeline_mode<synchronous>, transform_indices = @transform_5, window_bounds = array<i64: 1, 128>}, {transform_indices = @transform_6, window_bounds = array<i64: 1000, 128>}]} {
    %get3A = arith.constant 0 : index
    %get3A_0 = arith.constant 0 : index
    %get3A_1 = vector.load %arg4[%get3A, %get3A_0] : memref<1000x1xf32, #tpu.memory_space<vmem>>, vector<1000x1xf32>
    %get3A_2 = arith.constant 0 : index
    %get3A_3 = arith.constant 0 : index
    %get3A_4 = vector.load %arg5[%get3A_2, %get3A_3] : memref<1000x1xf32, #tpu.memory_space<vmem>>, vector<1000x1xf32>
    %add3A = arith.addf %get3A_1, %get3A_4 : vector<1000x1xf32>
    %add3A_5 = arith.constant 1.000000e+00 : f32
    %add3A_6 = vector.broadcast %add3A_5 : f32 to vector<1000x1xf32>
    %add3A_7 = arith.addf %add3A, %add3A_6 : vector<1000x1xf32>
    %rsqrt3A = math.rsqrt %add3A_7 : vector<1000x1xf32>
    %get3A_8 = arith.constant 0 : index
    %get3A_9 = arith.constant 0 : index
    %get3A_10 = vector.load %arg2[%get3A_8, %get3A_9] : memref<1000x128xf32, #tpu.memory_space<vmem>>, vector<1000x128xf32>
    %get3A_11 = arith.constant 0 : index
    %get3A_12 = arith.constant 0 : index
    %get3A_13 = vector.load %arg3[%get3A_11, %get3A_12] : memref<1000x128xf32, #tpu.memory_space<vmem>>, vector<1000x128xf32>
    %add3A_14 = arith.addf %get3A_10, %get3A_13 : vector<1000x128xf32>
    %get3A_15 = arith.constant 0 : index
    %get3A_16 = arith.constant 0 : index
    %get3A_17 = vector.load %arg1[%get3A_15, %get3A_16] : memref<1000x128xf32, #tpu.memory_space<vmem>>, vector<1000x128xf32>
    %add3A_18 = arith.addf %add3A_14, %get3A_17 : vector<1000x128xf32>
    %mul3A = vector.broadcast %rsqrt3A : vector<1000x1xf32> to vector<1000x128xf32>
    %mul3A_19 = arith.mulf %mul3A, %add3A_18 : vector<1000x128xf32>
    %get3A_20 = arith.constant 0 : index
    %get3A_21 = arith.constant 0 : index
    %get3A_22 = vector.load %arg6[%get3A_20, %get3A_21] : memref<1x128xf32, #tpu.memory_space<vmem>>, vector<1x128xf32>
    %add3A_23 = vector.broadcast %get3A_22 : vector<1x128xf32> to vector<1000x128xf32>
    %add3A_24 = arith.addf %mul3A_19, %add3A_23 : vector<1000x128xf32>
    %swap3A = arith.constant 0 : index
    %swap3A_25 = arith.constant 0 : index
    %swap3A_26 = vector.load %arg7[%swap3A, %swap3A_25] : memref<1000x128xf32, #tpu.memory_space<vmem>>, vector<1000x128xf32>
    tpu.vector_store %arg7[%swap3A, %swap3A_25], %add3A_24 {strides = array<i32>} : memref<1000x128xf32, #tpu.memory_space<vmem>>, vector<1000x128xf32>,
    return
  }
  func.func @transform_0(%arg0: i32) -> (i32, i32) {
    %c0_i32 = arith.constant 0 : i32
    %c0_i32_0 = arith.constant 0 : i32
    return %arg0, %c0_i32 : i32, i32
  }
  func.func @transform_1(%arg0: i32) -> (i32, i32) {
    %c0_i32 = arith.constant 0 : i32
    %c0_i32_0 = arith.constant 0 : i32
    return %arg0, %c0_i32 : i32, i32
  }
  func.func @transform_2(%arg0: i32) -> (i32, i32) {
    %c0_i32 = arith.constant 0 : i32
    %c0_i32_0 = arith.constant 0 : i32
    return %arg0, %c0_i32 : i32, i32
  }
  func.func @transform_3(%arg0: i32) -> (i32, i32) {
    %c0_i32 = arith.constant 0 : i32
    %c0_i32_0 = arith.constant 0 : i32
    return %arg0, %c0_i32 : i32, i32
  }
  func.func @transform_4(%arg0: i32) -> (i32, i32) {
    %c0_i32 = arith.constant 0 : i32
    %c0_i32_0 = arith.constant 0 : i32
    return %arg0, %c0_i32 : i32, i32
  }
  func.func @transform_5(%arg0: i32) -> (i32, i32) {
    %c0_i32 = arith.constant 0 : i32
    %c0_i32_0 = arith.constant 0 : i32
    %c0_i32_1 = arith.constant 0 : i32
    return %c0_i32, %c0_i32_0 : i32, i32
  }
  func.func @transform_6(%arg0: i32) -> (i32, i32) {
    %c0_i32 = arith.constant 0 : i32
    %c0_i32_0 = arith.constant 0 : i32
    return %arg0, %c0_i32 : i32, i32
  }
}

</mosaic_0001>

<sc_bundles>
// kernel: kernel.6.cloned.1.call-start
scs
__scs_entry_jumppad:
0x0: {  	(pc) =	sbr.rel $0x88, $3  }
0x1: {  	(tag) =	ssettag $0x0;
	lr =	simm.s32 $0x1  }
0x2: {  	[smem:$0x3F9D] =	sst lr;
	_ =	strace $0xD0000000  }
0x3: {  	_ = 	snop  }
0x4: {  	_ = 	snop  }
0x5: {  	_ = 	snop  }
0x6: {  	_ = 	snop  }
0x7: {  	_ = 	snop  }
__scs_overlays_trampoline_lowered:
0x8: {  	[smem:$0x3FAC] =	sst s0  }
0x9: {  	[smem:$0x3FAD] =	sst s1  }
0xa: {  	[smem:$0x3FAE] =	sst s2  }
0xb: {  	[smem:$0x3FAF] =	sst s3  }
0xc: {  	[smem:$0x3FB0] =	sst s4  }
0xd: {  	[smem:$0x3FB1] =	sst s5  }
0xe: {  	[smem:$0x3FB2] =	sst s6  }
0xf: {  	[smem:$0x3FB3] =	sst s7  }
0x10: {  	[smem:$0x3FB4] =	sst s8  }
0x11: {  	[smem:$0x3FB5] =	sst s9;
	s0 =	simm.s32 @!p0 $0x0  }
0x12: {  	s1 =	sld [smem:$0x3F9B];
	s0 =	simm.s32 @p0 $0x1  }
0x13: {  	[smem:$0x3FB6] =	sst s0;
	s0 =	simm.s32 @!p1 $0x0  }
0x14: {  	s2 =	sld [smem:$0x3F9A];
	s0 =	simm.s32 @p1 $0x1  }
0x15: {  	[smem:$0x3FB7] =	sst s0;
	s0 =	simm.s32 @!p2 $0x0  }
0x16: {  	s3 =	sld [smem:$0x3FDB];
	s0 =	simm.s32 @p2 $0x1  }
0x17: {  	s4 =	simm.s32 $0x1BF5;
	[smem:$0x3FB9] =	sst s0  }
0x18: {  	s0 =	sld [smem:$0x3F9C];
	_ =	swait.ge [sflag:s4], $0x0  }
0x19: {  	s7 =	sld [smem:$0x3F9D]  }
0x1a: {  	s8 =	sadd.s32 $0xFFFFE003, lr  }
0x1b: {  	s9 =	sadd.s32 $0xFFFFFEF7, lr;
	s5 =	simm.s32 $0xFFFFFFFF;
	p2 =	slt.u32 s8, $0xFFFFF086  }
0x1c: {  	p1 =	slt.u32 s9, $0xF7A;
	s5 =	simm.s32 @!p2 $0x0  }
0x1d: {  	s5 =	simm.s32 @p1 $0x1;
	p0 =	seq.s32 s7, s2  }
0x1e: {  	s7 =	smul.u32 @!p0 $0xF7A, s2;
	p2 =	seq.s32 @!p0 s5, $0x0  }
0x1f: {  	s9 =	smul.u32 $0xF7A, s1;
	s8 =	simm.s32 @!p0 $0x1BF5;
	p2 =	por !p2, p0  }
0x20: {  	[sflag:s8] =	ssyncset.s32 @!p0 $0xFFFFF086;
	s6 =	sadd.s32 @!p0 s3, s7;
	s7 =	simm.s32 @!p0 $0x108  }
0x21: {  	s3 =	sadd.s32 s3, s9;
	s6 =	sadd.s32 @!p0 $0x88, s6;
	s7 =	simm.s32 @p2 $0x1082  }
0x22: {  	[simem:s7], [sflag:s8] =	dma.local @!p0 [hbm:s6], $0xF7A  }
0x23: {  	s9 =	sor.u32 $0xD0000000, s2;
	s6 =	simm.s32 $0x108;
	_ =	swait.ge @!p0 [sflag:s8], $0x0  }
0x24: {  	s3 =	sadd.s32 $0x88, s3;
	s6 =	simm.s32 @!p1 $0x1082;
	[sflag:s4] =	ssyncset.s32 $0xFFFFF086  }
0x25: {  	[simem:s6], [sflag:s4] =	dma.local [hbm:s3], $0xF7A  }
0x26: {  	[smem:$0x3F9D] =	sst s1;
	(tag) =	ssettag s2;
	_ =	strace s9  }
0x27: {  	s1 =	sld [smem:$0x3FAD]  }
0x28: {  	s2 =	sld [smem:$0x3FAE]  }
0x29: {  	s4 =	sld [smem:$0x3FB0]  }
0x2a: {  	p0 =	seq.s32 s5, $0x0;
	s5 =	sld [smem:$0x3FB1]  }
0x2b: {  	s6 =	sld [smem:$0x3FB2]  }
0x2c: {  	s7 =	sld [smem:$0x3FB3]  }
0x2d: {  	s3 =	simm.s32 $0x108;
	s8 =	sld [smem:$0x3FB4]  }
0x2e: {  	s3 =	simm.s32 @!p0 $0x1082;
	s9 =	sld [smem:$0x3FB5]  }
0x2f: {  	lr =	sadd.s32 s0, s3;
	s0 =	sld [smem:$0x3FAC]  }
0x30: {  	s3 =	sld [smem:$0x3FAF]  }
0x31: {  	[smem:$0x3FB8] =	sst s10  }
0x32: {  	s10 =	sld [smem:$0x3FB6];
	_ =	sdelay $0x3  }
0x33: {  	p0 =	seq.s32 s10, $0x1;
	s10 =	sld [smem:$0x3FB8];
	_ =	sdelay $0x3  }
0x34: {  	[smem:$0x3FB8] =	sst s10  }
0x35: {  	s10 =	sld [smem:$0x3FB7];
	_ =	sdelay $0x3  }
0x36: {  	p1 =	seq.s32 s10, $0x1;
	s10 =	sld [smem:$0x3FB8];
	_ =	sdelay $0x3  }
0x37: {  	[smem:$0x3FB8] =	sst s10  }
0x38: {  	s10 =	sld [smem:$0x3FB9]  }
0x39: {  	_ = 	snop;
	(pc) =	sbr.ind lr, $3  }
0x3a: {  	_ = 	snop  }
0x3b: {  	_ = 	snop  }
0x3c: {  	p2 =	seq.s32 s10, $0x1;
	s10 =	sld [smem:$0x3FB8]  }
0x3d: {  	_ =	shalt  }
0x3e: {  	_ =	shalt  }
0x3f: {  	_ =	shalt  }
0x40: {  	_ =	shalt  }
0x41: {  	_ =	shalt  }
0x42: {  	_ =	shalt  }
0x43: {  	_ =	shalt  }
0x44: {  	_ =	shalt  }
0x45: {  	_ =	shalt  }
0x46: {  	_ =	shalt  }
0x47: {  	_ =	shalt  }
0x48: {  	_ =	shalt  }
0x49: {  	_ =	shalt  }
0x4a: {  	_ =	shalt  }
0x4b: {  	_ =	shalt  }
0x4c: {  	_ =	shalt  }
0x4d: {  	_ =	shalt  }
0x4e: {  	_ =	shalt  }
0x4f: {  	_ =	shalt  }
0x50: {  	_ =	shalt  }
0x51: {  	_ =	shalt  }
0x52: {  	_ =	shalt  }
0x53: {  	_ =	shalt  }
0x54: {  	_ =	shalt  }
0x55: {  	_ =	shalt  }
0x56: {  	_ =	shalt  }
0x57: {  	_ =	shalt  }
0x58: {  	_ =	shalt  }
0x59: {  	_ =	shalt  }
0x5a: {  	_ =	shalt  }
0x5b: {  	_ =	shalt  }
0x5c: {  	_ =	shalt  }
0x5d: {  	_ =	shalt  }
0x5e: {  	_ =	shalt  }
0x5f: {  	_ =	shalt  }
0x60: {  	_ =	shalt  }
0x61: {  	_ =	shalt  }
0x62: {  	_ =	shalt  }
0x63: {  	_ =	shalt  }
0x64: {  	_ =	shalt  }
0x65: {  	_ =	shalt  }
0x66: {  	_ =	shalt  }
0x67: {  	_ =	shalt  }
0x68: {  	_ =	shalt  }
0x69: {  	_ =	shalt  }
0x6a: {  	_ =	shalt  }
0x6b: {  	_ =	shalt  }
0x6c: {  	_ =	shalt  }
0x6d: {  	_ =	shalt  }
0x6e: {  	_ =	shalt  }
0x6f: {  	_ =	shalt  }
0x70: {  	_ =	shalt  }
0x71: {  	_ =	shalt  }
0x72: {  	_ =	shalt  }
0x73: {  	_ =	shalt  }
0x74: {  	_ =	shalt  }
0x75: {  	_ =	shalt  }
0x76: {  	_ =	shalt  }
0x77: {  	_ =	shalt  }
0x78: {  	_ =	shalt  }
0x79: {  	_ =	shalt  }
0x7a: {  	_ =	shalt  }
0x7b: {  	_ =	shalt  }
0x7c: {  	_ =	shalt  }
0x7d: {  	_ =	shalt  }
0x7e: {  	_ =	shalt  }
0x7f: {  	_ =	shalt  }
0x80: {  	_ =	shalt  }
0x81: {  	_ =	shalt  }
0x82: {  	_ =	shalt  }
0x83: {  	_ =	shalt  }
0x84: {  	_ =	shalt  }
0x85: {  	_ =	shalt  }
0x86: {  	_ =	shalt  }
0x87: {  	_ =	shalt  }
.Lfunc_end0:
.L_simem_size_0:
called_computation_lowered:
.L_overlay_start_0:
0x88: {  	s2 =	sld [smem:$0x3FD9]  }
0x89: {  	s3 =	sld [smem:$0x3FFE];
	_ =	sdelay $0x1  }
0x8a: {  	s1 =	srdreg.scid  }
0x8b: {  	s0 =	sand.u32 $0x1, s1  }
0x8c: {  	s17 =	sshll.u32 s0, $0xA;
	s2 =	sadd.s32 s3, s2  }
0x8d: {  	s2 =	sadd.s32 s2, s17  }
0x8e: {  	[smem:$0x3FC4] =	sst s2  }
0x8f: {  	_ = 	snop  }
0x90: {  	s2 =	sld [smem:$0x3FD0];
	(tm) =	ssettm $0x1  }
0x91: {  	s18 =	sld [smem:$0x3FFB];
	_ =	sdelay $0x3  }
0x92: {  	_ =	strace s18  }
0x93: {  	s3 =	sld [smem:$0x3FFC];
	_ =	sdelay $0x3  }
0x94: {  	_ =	strace s3  }
0x95: {  	s3 =	sld [smem:$0x3FFD];
	_ =	sdelay $0x3  }
0x96: {  	_ =	strace s3  }
0x97: {  	_ =	strace $0x8FFFFFFF  }
0x98: {  	s19 =	sld [smem:$0x3FDB];
	_ =	sdelay $0x1  }
0x99: {  	s4 =	simm.s32 $_scs_section_size  }
0x9a: {  	s5 =	simm.s32 $_size__tile_overlayer_lowered;
	s6 =	simm.s32 $_tile_overlayer_lowered  }
0x9b: {  	s22 =	simm.s32 $0x1BFF;
	s21 =	sshll.u32 s6, $0x1;
	s3 =	sadd.s32 s4, s19  }
0x9c: {  	s7 =	simm.s32 $0x0;
	s20 =	sshll.u32 s5, $0x1;
	s5 =	sadd.s32 s21, s3  }
0x9d: {  	[timem:s7], [sflag:s22] =	dma.local [hbm:s5], s20  }
0x9e: {  	_ =	swait.ge [sflag:s22], s20  }
0x9f: {  	s4 =	ssub.s32 $0x0, s20;
	[sflag:s22] =	ssyncset.done $0x0  }
0xa0: {  	[sflag:s22] =	ssyncadd.s32 s4;
	_ =	sdelay $0x1  }
0xa1: {  	s23 =	simm.s32 $0x1B8B  }
0xa2: {  	_ =	swait.ge [sflag:s23], $0x1  }
0xa3: {  	[sflag:s23] =	ssyncset.done $0x0  }
0xa4: {  	s25 =	simm.s32 $0x1B8E;
	s24 =	sld [smem:$0x3FFE];
	[sflag:s23] =	ssyncadd.s32 $0xFFFFFFFF  }
0xa5: {  	s26 =	simm.s32 $execute0_lowered;
	[smem:$0x3FD2] =	sst s25  }
0xa6: {  	s5 =	sshll.u32 s26, $0x1;
	_ =	strace $0x80000046;
	[dreg:$0x1] =	wrdreg $0xFFFFFFFF  }
0xa7: {  	s28 =	simm.s32 $_size_execute0_lowered;
	s3 =	sadd.s32 s3, s5;
	[dreg:$0x0] =	wrdreg $0x0  }
0xa8: {  	s5 =	sshll.u32 s28, $0x1;
	[dreg:$0x2] =	wrdreg s3  }
0xa9: {  	[dreg:$0x3] =	wrdreg s5  }
0xaa: {  	[dreg:$0x4] =	wrdreg $0xC0  }
0xab: {  	_ =	task [dreg:s7], $0x5FFFF  }
0xac: {  	[dreg:$0x1] =	wrdreg $0xFFFFFFFF  }
0xad: {  	[dreg:$0x0] =	wrdreg $0x60  }
0xae: {  	[dreg:$0x2] =	wrdreg s24  }
0xaf: {  	[dreg:$0x3] =	wrdreg s2  }
0xb0: {  	[dreg:$0x4] =	wrdreg $0x70000  }
0xb1: {  	[dreg:$0x5] =	wrdreg $0x9  }
0xb2: {  	_ =	task.clear_ibuf [dreg:s7], $0x6FFFF;
	_ =	strace $0x90000046  }
0xb3: {  	s29 =	simm.s32 $0x9;
	_ =	strace $0x80000048  }
0xb4: {  	_ =	swait.ge [sflag:s29], $0x1  }
0xb5: {  	[sflag:s29] =	ssyncadd.s32 $0xFFFFFFFF  }
0xb6: {  	_ =	strace $0x90000048  }
0xb7: {  	_ =	sfence  }
0xb8: {  	s30 =	sld [smem:$0x0];
	_ =	sdelay $0x2  }
0xb9: {  	s31 =	sshll.u32 s1, $0xD;
	s1 =	sshrl.u32 s1, $0x2  }
0xba: {  	s3 =	sand.u32 $0x4000, s31;
	s1 =	sadd.s32 s1, s30  }
0xbb: {  	s0 =	sor.u32 s3, s0;
	s1 =	sshll.u32 s1, $0x11  }
0xbc: {  	s0 =	sor.u32 s1, s0  }
0xbd: {  	s0 =	sadd.s32 $0x8F2B, s0  }
0xbe: {  	[sflag:s0] =	ssyncadd.remote.s32 $0x1  }
0xbf: {  	_ =	sfence.sel $0xFFFF  }
0xc0: {  	[dreg:$0x0] =	wrdreg $0xFFFFFFFF;
	(pc) =	sbr.abs _section_cstart, $3  }
0xc1: {  	[dreg:$0x1] =	wrdreg $0xFFFFFFFF  }
0xc2: {  	_ =	task.clear_ibuf [dreg:s7], $0x2FFFF;
	_ =	strace $0x9FFFFFFF  }
0xc3: {  	(tm) =	ssettm $0x7FFFFFFF  }
tec
execute0_lowered:
.L_overlay_start_1:
0x0: {  	(tag) =	ssettag $0x1  }
0x1: {  	s0 =	rddreg [dreg:$0x0]  }
0x2: {  	s1 =	rddreg [dreg:$0x1];
	s2 =	srdreg.scid  }
0x3: {  	s7 =	stileid.u32;
	s5 =	rddreg [dreg:$0x2]  }
0x4: {  	s20 =	simm.s32 $0x0;
	s28 =	simm.s32 $0x6800;
	s29 =	simm.s32 $0x6C00  }
0x5: {  	s30 =	simm.s32 $0x100;
	s31 =	simm.s32 $0x0;
	s17 =	sand.u32 $0x1, s2  }
0x6: {  	s3 =	sshll.u32 s7, $0x1;
	[smem:$0x7FF] =	sst s20;
	s21 =	sshll.u32 s7, $0xE  }
0x7: {  	s24 =	sshll.u32 s7, $0x7;
	s25 =	sshll.u32 s7, $0xD;
	s26 =	sshll.u32 s7, $0x8  }
0x8: {  	s3 =	sor.u32 s17, s3;
	s4 =	ssub.s32 $0x2, s17;
	_ =	strace $0x80000047  }
0x9: {  	s23 =	sand.u32 $0x20000, s21;
	s19 =	sshll.u32 s17, $0x4;
	s6 =	sshrl.u32 s4, $0x1  }
0xa: {  	s3 =	smul.u32 $0x500, s3;
	s1 =	sadd.s32 s1, s19;
	s22 =	ssub.s32 s4, s6  }
0xb: {  	s4 =	sand.u32 $0x380, s24;
	s21 =	sadd.s32 s26, s1;
	s24 =	simm.s32 $0x2800  }
0xc: {  	s26 =	simm.s32 $0x400;
	s0 =	sadd.s32 s3, s0;
	s22 =	smax.u32 s22, $0x1  }
0xd: {  	s3 =	sadd.s32 $0x1400, s0;
	s0 =	sadd.s32 s23, s5;
	s5 =	sadd.s32 s25, s5  }
0xe: {  	s23 =	simm.s32 $0x1;
	s25 =	simm.s32 $0x80;
	s4 =	sadd.s32 s4, s0  }
0xf: {  	s6 =	sadd.s32 $0x80, s5;
	s7 =	sadd.s32 $0x100, s5;
	s8 =	sadd.s32 $0x180, s5  }
0x10: {  	s9 =	sadd.s32 $0x200, s5;
	s10 =	sadd.s32 $0x280, s5;
	s11 =	sadd.s32 $0x300, s5  }
0x11: {  	s12 =	sadd.s32 $0x380, s5;
	s13 =	sadd.s32 $0x20000, s5;
	s14 =	sadd.s32 $0x20080, s5  }
0x12: {  	s15 =	sadd.s32 $0x20100, s5;
	s16 =	sadd.s32 $0x20180, s5;
	s17 =	sadd.s32 $0x20200, s5  }
0x13: {  	v0 =	vimm.f32 $0.0e+00;
	v1 =	vimm.f32 $1.000000000e+00;
	s18 =	sadd.s32 $0x20280, s5;
	s19 =	sadd.s32 $0x20300, s5;
	s20 =	sadd.s32 $0x20380, s5  }
.LBB2_1:
0x14: {  	s0 =	simm.s32 $0x0  }
0x15: {  	[tilespmem:s0], [sflag:$0x1] =	stream.linear.gather [hbm4b:s3+s0], $0x2780, $0x38;
	[tilespmem:$0xB000] =	vst v63  }
0x16: {  	_ =	swait.ge [sflag:s23], $0x2780  }
0x17: {  	[sflag:s23] =	ssyncset.done $0x0  }
0x18: {  	s0 =	simm.s32 $0x0;
	[sflag:s23] =	ssyncadd.s32 $0xFFFFD880  }
.LBB2_2:
0x19: {  	p0 =	sne.s32 s0, $0xFFC0  }
.Ltmp0:
0x1a: {  	_ = 	snop;
	(pc) =	sbr.rel @p0 .LBB2_2-.Ltmp0, $3  }
0x1b: {  	_ =	sdelay $0x1  }
0x1c: {  	s1 =	sshra.s32 s0, $0x2  }
0x1d: {  	s0 =	sadd.s32 $0x40, s0;
	[tilespmem:s1+$0x2800] =	vst v0  }
0x1e: {  	s1 =	simm.s32 $0x0  }
.LBB2_4:
0x1f: {  	s0 =	sshra.s32 s1, $0x2  }
0x20: {  	v2 =	vld [tilespmem:s0+$0x0];
	_ =	sdelay $0x7  }
0x21: {  	[tilespmem:v2+s24+$0x0] =	vst.idx.add.f32.msk $0xffff, v1  }
0x22: {  	v2 =	vld [tilespmem:s0+$0x10];
	_ =	sdelay $0x7  }
0x23: {  	[tilespmem:v2+s24+$0x0] =	vst.idx.add.f32.msk $0xffff, v1  }
0x24: {  	v2 =	vld [tilespmem:s0+$0x20];
	_ =	sdelay $0x7  }
0x25: {  	[tilespmem:v2+s24+$0x0] =	vst.idx.add.f32.msk $0xffff, v1  }
0x26: {  	v2 =	vld [tilespmem:s0+$0x30];
	_ =	sdelay $0x7  }
0x27: {  	[tilespmem:v2+s24+$0x0] =	vst.idx.add.f32.msk $0xffff, v1  }
0x28: {  	v2 =	vld [tilespmem:s0+$0x40];
	_ =	sdelay $0x7  }
0x29: {  	[tilespmem:v2+s24+$0x0] =	vst.idx.add.f32.msk $0xffff, v1  }
0x2a: {  	v2 =	vld [tilespmem:s0+$0x50];
	_ =	sdelay $0x7  }
0x2b: {  	[tilespmem:v2+s24+$0x0] =	vst.idx.add.f32.msk $0xffff, v1  }
0x2c: {  	v2 =	vld [tilespmem:s0+$0x60];
	_ =	sdelay $0x7  }
0x2d: {  	[tilespmem:v2+s24+$0x0] =	vst.idx.add.f32.msk $0xffff, v1  }
0x2e: {  	v2 =	vld [tilespmem:s0+$0x70];
	_ =	sdelay $0x2  }
0x2f: {  	p0 =	sne.s32 s1, $0x9C00  }
.Ltmp1:
0x30: {  	_ = 	snop;
	(pc) =	sbr.rel @p0 .LBB2_4-.Ltmp1, $2  }
0x31: {  	_ =	sdelay $0x2  }
0x32: {  	s1 =	sadd.s32 $0x200, s1;
	[tilespmem:v2+s24+$0x0] =	vst.idx.add.f32.msk $0xffff, v1  }
0x33: {  	[spmem:s4] =	stream.strided.scatter [tilespmem:s24], [sflag:$0x1], $0x4000, s26, s25, $0x38;
	[tilespmem:$0xB000] =	vst v63  }
0x34: {  	_ =	swait.ge [sflag:s23], $0x4000  }
0x35: {  	[sflag:s23] =	ssyncset.done $0x0  }
0x36: {  	[sflag:s23] =	ssyncadd.s32 $0xFFFFC000  }
0x37: {  	[bflag:$0x0] =	sbarrier.arrive $0xFFFF  }
0x38: {  	[tilespmem:s28], [sflag:$0x1] =	stream.strided.gather [spmem:s5], $0x400, s26, s25, $0x38;
	[tilespmem:$0xB000] =	vst v63  }
0x39: {  	_ =	swait.ge [sflag:s23], $0x400  }
0x3a: {  	[sflag:s23] =	ssyncset.done $0x0  }
0x3b: {  	[sflag:s23] =	ssyncadd.s32 $0xFFFFFC00  }
0x3c: {  	[tilespmem:s29], [sflag:$0x1] =	stream.strided.gather [spmem:s6], $0x400, s26, s25, $0x38;
	[tilespmem:$0xB000] =	vst v63  }
0x3d: {  	_ =	swait.ge [sflag:s23], $0x400  }
0x3e: {  	[sflag:s23] =	ssyncset.done $0x0  }
0x3f: {  	s1 =	simm.s32 $0x0;
	[sflag:s23] =	ssyncadd.s32 $0xFFFFFC00  }
0x40: {  	s0 =	simm.s32 $0x40;
	v2 =	vld [tilespmem:s1+$0x6C00]  }
.LBB2_6:
0x41: {  	p0 =	sne.s32 s0, $0xFC0;
	v3 =	vld [tilespmem:s1+$0x6800];
	_ =	sdelay $0x2  }
.Ltmp2:
0x42: {  	(pc) =	sbr.rel @p0 .LBB2_6-.Ltmp2, $4  }
0x43: {  	_ = 	snop  }
0x44: {  	v3 =	vadd.f32 v2, v3  }
0x45: {  	s2 =	sshra.s32 s0, $0x2  }
0x46: {  	s0 =	sadd.s32 $0x40, s0;
	v2 =	vld [tilespmem:s2+$0x6C00];
	[tilespmem:s1+$0x6800] =	vst v3;
	s1 =	smov.u32 s2  }
0x47: {  	v3 =	vld [tilespmem:s1+$0x6800];
	_ =	sdelay $0x4  }
0x48: {  	v2 =	vadd.f32 v2, v3;
	_ =	sdelay $0x1  }
0x49: {  	[tilespmem:s1+$0x6800] =	vst v2  }
0x4a: {  	[tilespmem:s29], [sflag:$0x1] =	stream.strided.gather [spmem:s7], $0x400, s26, s25, $0x38;
	[tilespmem:$0xB000] =	vst v63  }
0x4b: {  	_ =	swait.ge [sflag:s23], $0x400  }
0x4c: {  	[sflag:s23] =	ssyncset.done $0x0  }
0x4d: {  	s1 =	simm.s32 $0x0;
	[sflag:s23] =	ssyncadd.s32 $0xFFFFFC00  }
0x4e: {  	s0 =	simm.s32 $0x40;
	v2 =	vld [tilespmem:s1+$0x6C00]  }
.LBB2_8:
0x4f: {  	p0 =	sne.s32 s0, $0xFC0;
	v3 =	vld [tilespmem:s1+$0x6800];
	_ =	sdelay $0x2  }
.Ltmp3:
0x50: {  	(pc) =	sbr.rel @p0 .LBB2_8-.Ltmp3, $4  }
0x51: {  	_ = 	snop  }
0x52: {  	v3 =	vadd.f32 v2, v3  }
0x53: {  	s2 =	sshra.s32 s0, $0x2  }
0x54: {  	s0 =	sadd.s32 $0x40, s0;
	v2 =	vld [tilespmem:s2+$0x6C00];
	[tilespmem:s1+$0x6800] =	vst v3;
	s1 =	smov.u32 s2  }
0x55: {  	v3 =	vld [tilespmem:s1+$0x6800];
	_ =	sdelay $0x4  }
0x56: {  	v2 =	vadd.f32 v2, v3;
	_ =	sdelay $0x1  }
0x57: {  	[tilespmem:s1+$0x6800] =	vst v2  }
0x58: {  	[tilespmem:s29], [sflag:$0x1] =	stream.strided.gather [spmem:s8], $0x400, s26, s25, $0x38;
	[tilespmem:$0xB000] =	vst v63  }
0x59: {  	_ =	swait.ge [sflag:s23], $0x400  }
0x5a: {  	[sflag:s23] =	ssyncset.done $0x0  }
0x5b: {  	s1 =	simm.s32 $0x0;
	[sflag:s23] =	ssyncadd.s32 $0xFFFFFC00  }
0x5c: {  	s0 =	simm.s32 $0x40;
	v2 =	vld [tilespmem:s1+$0x6C00]  }
.LBB2_10:
0x5d: {  	p0 =	sne.s32 s0, $0xFC0;
	v3 =	vld [tilespmem:s1+$0x6800];
	_ =	sdelay $0x2  }
.Ltmp4:
0x5e: {  	(pc) =	sbr.rel @p0 .LBB2_10-.Ltmp4, $4  }
0x5f: {  	_ = 	snop  }
0x60: {  	v3 =	vadd.f32 v2, v3  }
0x61: {  	s2 =	sshra.s32 s0, $0x2  }
0x62: {  	s0 =	sadd.s32 $0x40, s0;
	v2 =	vld [tilespmem:s2+$0x6C00];
	[tilespmem:s1+$0x6800] =	vst v3;
	s1 =	smov.u32 s2  }
0x63: {  	v3 =	vld [tilespmem:s1+$0x6800];
	_ =	sdelay $0x4  }
0x64: {  	v2 =	vadd.f32 v2, v3;
	_ =	sdelay $0x1  }
0x65: {  	[tilespmem:s1+$0x6800] =	vst v2  }
0x66: {  	[tilespmem:s29], [sflag:$0x1] =	stream.strided.gather [spmem:s9], $0x400, s26, s25, $0x38;
	[tilespmem:$0xB000] =	vst v63  }
0x67: {  	_ =	swait.ge [sflag:s23], $0x400  }
0x68: {  	[sflag:s23] =	ssyncset.done $0x0  }
0x69: {  	s1 =	simm.s32 $0x0;
	[sflag:s23] =	ssyncadd.s32 $0xFFFFFC00  }
0x6a: {  	s0 =	simm.s32 $0x40;
	v2 =	vld [tilespmem:s1+$0x6C00]  }
.LBB2_12:
0x6b: {  	p0 =	sne.s32 s0, $0xFC0;
	v3 =	vld [tilespmem:s1+$0x6800];
	_ =	sdelay $0x2  }
.Ltmp5:
0x6c: {  	(pc) =	sbr.rel @p0 .LBB2_12-.Ltmp5, $4  }
0x6d: {  	_ = 	snop  }
0x6e: {  	v3 =	vadd.f32 v2, v3  }
0x6f: {  	s2 =	sshra.s32 s0, $0x2  }
0x70: {  	s0 =	sadd.s32 $0x40, s0;
	v2 =	vld [tilespmem:s2+$0x6C00];
	[tilespmem:s1+$0x6800] =	vst v3;
	s1 =	smov.u32 s2  }
0x71: {  	v3 =	vld [tilespmem:s1+$0x6800];
	_ =	sdelay $0x4  }
0x72: {  	v2 =	vadd.f32 v2, v3;
	_ =	sdelay $0x1  }
0x73: {  	[tilespmem:s1+$0x6800] =	vst v2  }
0x74: {  	[tilespmem:s29], [sflag:$0x1] =	stream.strided.gather [spmem:s10], $0x400, s26, s25, $0x38;
	[tilespmem:$0xB000] =	vst v63  }
0x75: {  	_ =	swait.ge [sflag:s23], $0x400  }
0x76: {  	[sflag:s23] =	ssyncset.done $0x0  }
0x77: {  	s1 =	simm.s32 $0x0;
	[sflag:s23] =	ssyncadd.s32 $0xFFFFFC00  }
0x78: {  	s0 =	simm.s32 $0x40;
	v2 =	vld [tilespmem:s1+$0x6C00]  }
.LBB2_14:
0x79: {  	p0 =	sne.s32 s0, $0xFC0;
	v3 =	vld [tilespmem:s1+$0x6800];
	_ =	sdelay $0x2  }
.Ltmp6:
0x7a: {  	(pc) =	sbr.rel @p0 .LBB2_14-.Ltmp6, $4  }
0x7b: {  	_ = 	snop  }
0x7c: {  	v3 =	vadd.f32 v2, v3  }
0x7d: {  	s2 =	sshra.s32 s0, $0x2  }
0x7e: {  	s0 =	sadd.s32 $0x40, s0;
	v2 =	vld [tilespmem:s2+$0x6C00];
	[tilespmem:s1+$0x6800] =	vst v3;
	s1 =	smov.u32 s2  }
0x7f: {  	v3 =	vld [tilespmem:s1+$0x6800];
	_ =	sdelay $0x4  }
0x80: {  	v2 =	vadd.f32 v2, v3;
	_ =	sdelay $0x1  }
0x81: {  	[tilespmem:s1+$0x6800] =	vst v2  }
0x82: {  	[tilespmem:s29], [sflag:$0x1] =	stream.strided.gather [spmem:s11], $0x400, s26, s25, $0x38;
	[tilespmem:$0xB000] =	vst v63  }
0x83: {  	_ =	swait.ge [sflag:s23], $0x400  }
0x84: {  	[sflag:s23] =	ssyncset.done $0x0  }
0x85: {  	s1 =	simm.s32 $0x0;
	[sflag:s23] =	ssyncadd.s32 $0xFFFFFC00  }
0x86: {  	s0 =	simm.s32 $0x40;
	v2 =	vld [tilespmem:s1+$0x6C00]  }
.LBB2_16:
0x87: {  	p0 =	sne.s32 s0, $0xFC0;
	v3 =	vld [tilespmem:s1+$0x6800];
	_ =	sdelay $0x2  }
.Ltmp7:
0x88: {  	(pc) =	sbr.rel @p0 .LBB2_16-.Ltmp7, $4  }
0x89: {  	_ = 	snop  }
0x8a: {  	v3 =	vadd.f32 v2, v3  }
0x8b: {  	s2 =	sshra.s32 s0, $0x2  }
0x8c: {  	s0 =	sadd.s32 $0x40, s0;
	v2 =	vld [tilespmem:s2+$0x6C00];
	[tilespmem:s1+$0x6800] =	vst v3;
	s1 =	smov.u32 s2  }
0x8d: {  	v3 =	vld [tilespmem:s1+$0x6800];
	_ =	sdelay $0x4  }
0x8e: {  	v2 =	vadd.f32 v2, v3;
	_ =	sdelay $0x1  }
0x8f: {  	[tilespmem:s1+$0x6800] =	vst v2  }
0x90: {  	[tilespmem:s29], [sflag:$0x1] =	stream.strided.gather [spmem:s12], $0x400, s26, s25, $0x38;
	[tilespmem:$0xB000] =	vst v63  }
0x91: {  	_ =	swait.ge [sflag:s23], $0x400  }
0x92: {  	[sflag:s23] =	ssyncset.done $0x0  }
0x93: {  	s1 =	simm.s32 $0x0;
	[sflag:s23] =	ssyncadd.s32 $0xFFFFFC00  }
0x94: {  	s0 =	simm.s32 $0x40;
	v2 =	vld [tilespmem:s1+$0x6C00]  }
.LBB2_18:
0x95: {  	p0 =	sne.s32 s0, $0xFC0;
	v3 =	vld [tilespmem:s1+$0x6800];
	_ =	sdelay $0x2  }
.Ltmp8:
0x96: {  	(pc) =	sbr.rel @p0 .LBB2_18-.Ltmp8, $4  }
0x97: {  	_ = 	snop  }
0x98: {  	v3 =	vadd.f32 v2, v3  }
0x99: {  	s2 =	sshra.s32 s0, $0x2  }
0x9a: {  	s0 =	sadd.s32 $0x40, s0;
	v2 =	vld [tilespmem:s2+$0x6C00];
	[tilespmem:s1+$0x6800] =	vst v3;
	s1 =	smov.u32 s2  }
0x9b: {  	v3 =	vld [tilespmem:s1+$0x6800];
	_ =	sdelay $0x4  }
0x9c: {  	v2 =	vadd.f32 v2, v3;
	_ =	sdelay $0x1  }
0x9d: {  	[tilespmem:s1+$0x6800] =	vst v2  }
0x9e: {  	[tilespmem:s29], [sflag:$0x1] =	stream.strided.gather [spmem:s13], $0x400, s26, s25, $0x38;
	[tilespmem:$0xB000] =	vst v63  }
0x9f: {  	_ =	swait.ge [sflag:s23], $0x400  }
0xa0: {  	[sflag:s23] =	ssyncset.done $0x0  }
0xa1: {  	s1 =	simm.s32 $0x0;
	[sflag:s23] =	ssyncadd.s32 $0xFFFFFC00  }
0xa2: {  	s0 =	simm.s32 $0x40;
	v2 =	vld [tilespmem:s1+$0x6C00]  }
.LBB2_20:
0xa3: {  	p0 =	sne.s32 s0, $0xFC0;
	v3 =	vld [tilespmem:s1+$0x6800];
	_ =	sdelay $0x2  }
.Ltmp9:
0xa4: {  	(pc) =	sbr.rel @p0 .LBB2_20-.Ltmp9, $4  }
0xa5: {  	_ = 	snop  }
0xa6: {  	v3 =	vadd.f32 v2, v3  }
0xa7: {  	s2 =	sshra.s32 s0, $0x2  }
0xa8: {  	s0 =	sadd.s32 $0x40, s0;
	v2 =	vld [tilespmem:s2+$0x6C00];
	[tilespmem:s1+$0x6800] =	vst v3;
	s1 =	smov.u32 s2  }
0xa9: {  	v3 =	vld [tilespmem:s1+$0x6800];
	_ =	sdelay $0x4  }
0xaa: {  	v2 =	vadd.f32 v2, v3;
	_ =	sdelay $0x1  }
0xab: {  	[tilespmem:s1+$0x6800] =	vst v2  }
0xac: {  	[tilespmem:s29], [sflag:$0x1] =	stream.strided.gather [spmem:s14], $0x400, s26, s25, $0x38;
	[tilespmem:$0xB000] =	vst v63  }
0xad: {  	_ =	swait.ge [sflag:s23], $0x400  }
0xae: {  	[sflag:s23] =	ssyncset.done $0x0  }
0xaf: {  	s1 =	simm.s32 $0x0;
	[sflag:s23] =	ssyncadd.s32 $0xFFFFFC00  }
0xb0: {  	s0 =	simm.s32 $0x40;
	v2 =	vld [tilespmem:s1+$0x6C00]  }
.LBB2_22:
0xb1: {  	p0 =	sne.s32 s0, $0xFC0;
	v3 =	vld [tilespmem:s1+$0x6800];
	_ =	sdelay $0x2  }
.Ltmp10:
0xb2: {  	(pc) =	sbr.rel @p0 .LBB2_22-.Ltmp10, $4  }
0xb3: {  	_ = 	snop  }
0xb4: {  	v3 =	vadd.f32 v2, v3  }
0xb5: {  	s2 =	sshra.s32 s0, $0x2  }
0xb6: {  	s0 =	sadd.s32 $0x40, s0;
	v2 =	vld [tilespmem:s2+$0x6C00];
	[tilespmem:s1+$0x6800] =	vst v3;
	s1 =	smov.u32 s2  }
0xb7: {  	v3 =	vld [tilespmem:s1+$0x6800];
	_ =	sdelay $0x4  }
0xb8: {  	v2 =	vadd.f32 v2, v3;
	_ =	sdelay $0x1  }
0xb9: {  	[tilespmem:s1+$0x6800] =	vst v2  }
0xba: {  	[tilespmem:s29], [sflag:$0x1] =	stream.strided.gather [spmem:s15], $0x400, s26, s25, $0x38;
	[tilespmem:$0xB000] =	vst v63  }
0xbb: {  	_ =	swait.ge [sflag:s23], $0x400  }
0xbc: {  	[sflag:s23] =	ssyncset.done $0x0  }
0xbd: {  	s1 =	simm.s32 $0x0;
	[sflag:s23] =	ssyncadd.s32 $0xFFFFFC00  }
0xbe: {  	s0 =	simm.s32 $0x40;
	v2 =	vld [tilespmem:s1+$0x6C00]  }
.LBB2_24:
0xbf: {  	p0 =	sne.s32 s0, $0xFC0;
	v3 =	vld [tilespmem:s1+$0x6800];
	_ =	sdelay $0x2  }
.Ltmp11:
0xc0: {  	(pc) =	sbr.rel @p0 .LBB2_24-.Ltmp11, $4  }
0xc1: {  	_ = 	snop  }
0xc2: {  	v3 =	vadd.f32 v2, v3  }
0xc3: {  	s2 =	sshra.s32 s0, $0x2  }
0xc4: {  	s0 =	sadd.s32 $0x40, s0;
	v2 =	vld [tilespmem:s2+$0x6C00];
	[tilespmem:s1+$0x6800] =	vst v3;
	s1 =	smov.u32 s2  }
0xc5: {  	v3 =	vld [tilespmem:s1+$0x6800];
	_ =	sdelay $0x4  }
0xc6: {  	v2 =	vadd.f32 v2, v3;
	_ =	sdelay $0x1  }
0xc7: {  	[tilespmem:s1+$0x6800] =	vst v2  }
0xc8: {  	[tilespmem:s29], [sflag:$0x1] =	stream.strided.gather [spmem:s16], $0x400, s26, s25, $0x38;
	[tilespmem:$0xB000] =	vst v63  }
0xc9: {  	_ =	swait.ge [sflag:s23], $0x400  }
0xca: {  	[sflag:s23] =	ssyncset.done $0x0  }
0xcb: {  	s1 =	simm.s32 $0x0;
	[sflag:s23] =	ssyncadd.s32 $0xFFFFFC00  }
0xcc: {  	s0 =	simm.s32 $0x40;
	v2 =	vld [tilespmem:s1+$0x6C00]  }
.LBB2_26:
0xcd: {  	p0 =	sne.s32 s0, $0xFC0;
	v3 =	vld [tilespmem:s1+$0x6800];
	_ =	sdelay $0x2  }
.Ltmp12:
0xce: {  	(pc) =	sbr.rel @p0 .LBB2_26-.Ltmp12, $4  }
0xcf: {  	_ = 	snop  }
0xd0: {  	v3 =	vadd.f32 v2, v3  }
0xd1: {  	s2 =	sshra.s32 s0, $0x2  }
0xd2: {  	s0 =	sadd.s32 $0x40, s0;
	v2 =	vld [tilespmem:s2+$0x6C00];
	[tilespmem:s1+$0x6800] =	vst v3;
	s1 =	smov.u32 s2  }
0xd3: {  	v3 =	vld [tilespmem:s1+$0x6800];
	_ =	sdelay $0x4  }
0xd4: {  	v2 =	vadd.f32 v2, v3;
	_ =	sdelay $0x1  }
0xd5: {  	[tilespmem:s1+$0x6800] =	vst v2  }
0xd6: {  	[tilespmem:s29], [sflag:$0x1] =	stream.strided.gather [spmem:s17], $0x400, s26, s25, $0x38;
	[tilespmem:$0xB000] =	vst v63  }
0xd7: {  	_ =	swait.ge [sflag:s23], $0x400  }
0xd8: {  	[sflag:s23] =	ssyncset.done $0x0  }
0xd9: {  	s1 =	simm.s32 $0x0;
	[sflag:s23] =	ssyncadd.s32 $0xFFFFFC00  }
0xda: {  	s0 =	simm.s32 $0x40;
	v2 =	vld [tilespmem:s1+$0x6C00]  }
.LBB2_28:
0xdb: {  	p0 =	sne.s32 s0, $0xFC0;
	v3 =	vld [tilespmem:s1+$0x6800];
	_ =	sdelay $0x2  }
.Ltmp13:
0xdc: {  	(pc) =	sbr.rel @p0 .LBB2_28-.Ltmp13, $4  }
0xdd: {  	_ = 	snop  }
0xde: {  	v3 =	vadd.f32 v2, v3  }
0xdf: {  	s2 =	sshra.s32 s0, $0x2  }
0xe0: {  	s0 =	sadd.s32 $0x40, s0;
	v2 =	vld [tilespmem:s2+$0x6C00];
	[tilespmem:s1+$0x6800] =	vst v3;
	s1 =	smov.u32 s2  }
0xe1: {  	v3 =	vld [tilespmem:s1+$0x6800];
	_ =	sdelay $0x4  }
0xe2: {  	v2 =	vadd.f32 v2, v3;
	_ =	sdelay $0x1  }
0xe3: {  	[tilespmem:s1+$0x6800] =	vst v2  }
0xe4: {  	[tilespmem:s29], [sflag:$0x1] =	stream.strided.gather [spmem:s18], $0x400, s26, s25, $0x38;
	[tilespmem:$0xB000] =	vst v63  }
0xe5: {  	_ =	swait.ge [sflag:s23], $0x400  }
0xe6: {  	[sflag:s23] =	ssyncset.done $0x0  }
0xe7: {  	s1 =	simm.s32 $0x0;
	[sflag:s23] =	ssyncadd.s32 $0xFFFFFC00  }
0xe8: {  	s0 =	simm.s32 $0x40;
	v2 =	vld [tilespmem:s1+$0x6C00]  }
.LBB2_30:
0xe9: {  	p0 =	sne.s32 s0, $0xFC0;
	v3 =	vld [tilespmem:s1+$0x6800];
	_ =	sdelay $0x2  }
.Ltmp14:
0xea: {  	(pc) =	sbr.rel @p0 .LBB2_30-.Ltmp14, $4  }
0xeb: {  	_ = 	snop  }
0xec: {  	v3 =	vadd.f32 v2, v3  }
0xed: {  	s2 =	sshra.s32 s0, $0x2  }
0xee: {  	s0 =	sadd.s32 $0x40, s0;
	v2 =	vld [tilespmem:s2+$0x6C00];
	[tilespmem:s1+$0x6800] =	vst v3;
	s1 =	smov.u32 s2  }
0xef: {  	v3 =	vld [tilespmem:s1+$0x6800];
	_ =	sdelay $0x4  }
0xf0: {  	v2 =	vadd.f32 v2, v3;
	_ =	sdelay $0x1  }
0xf1: {  	[tilespmem:s1+$0x6800] =	vst v2  }
0xf2: {  	[tilespmem:s29], [sflag:$0x1] =	stream.strided.gather [spmem:s19], $0x400, s26, s25, $0x38;
	[tilespmem:$0xB000] =	vst v63  }
0xf3: {  	_ =	swait.ge [sflag:s23], $0x400  }
0xf4: {  	[sflag:s23] =	ssyncset.done $0x0  }
0xf5: {  	s1 =	simm.s32 $0x0;
	[sflag:s23] =	ssyncadd.s32 $0xFFFFFC00  }
0xf6: {  	s0 =	simm.s32 $0x40;
	v2 =	vld [tilespmem:s1+$0x6C00]  }
.LBB2_32:
0xf7: {  	p0 =	sne.s32 s0, $0xFC0;
	v3 =	vld [tilespmem:s1+$0x6800];
	_ =	sdelay $0x2  }
.Ltmp15:
0xf8: {  	(pc) =	sbr.rel @p0 .LBB2_32-.Ltmp15, $4  }
0xf9: {  	_ = 	snop  }
0xfa: {  	v3 =	vadd.f32 v2, v3  }
0xfb: {  	s2 =	sshra.s32 s0, $0x2  }
0xfc: {  	s0 =	sadd.s32 $0x40, s0;
	v2 =	vld [tilespmem:s2+$0x6C00];
	[tilespmem:s1+$0x6800] =	vst v3;
	s1 =	smov.u32 s2  }
0xfd: {  	v3 =	vld [tilespmem:s1+$0x6800];
	_ =	sdelay $0x4  }
0xfe: {  	v2 =	vadd.f32 v2, v3;
	_ =	sdelay $0x1  }
0xff: {  	[tilespmem:s1+$0x6800] =	vst v2  }
0x100: {  	[tilespmem:s29], [sflag:$0x1] =	stream.strided.gather [spmem:s20], $0x400, s26, s25, $0x38;
	[tilespmem:$0xB000] =	vst v63  }
0x101: {  	_ =	swait.ge [sflag:s23], $0x400  }
0x102: {  	[sflag:s23] =	ssyncset.done $0x0  }
0x103: {  	s1 =	simm.s32 $0x0;
	[sflag:s23] =	ssyncadd.s32 $0xFFFFFC00  }
0x104: {  	s0 =	simm.s32 $0x40;
	v2 =	vld [tilespmem:s1+$0x6C00]  }
.LBB2_34:
0x105: {  	p0 =	sne.s32 s0, $0xFC0;
	v3 =	vld [tilespmem:s1+$0x6800];
	_ =	sdelay $0x2  }
.Ltmp16:
0x106: {  	(pc) =	sbr.rel @p0 .LBB2_34-.Ltmp16, $4  }
0x107: {  	_ = 	snop  }
0x108: {  	v3 =	vadd.f32 v2, v3  }
0x109: {  	s2 =	sshra.s32 s0, $0x2  }
0x10a: {  	s0 =	sadd.s32 $0x40, s0;
	v2 =	vld [tilespmem:s2+$0x6C00];
	[tilespmem:s1+$0x6800] =	vst v3;
	s1 =	smov.u32 s2  }
0x10b: {  	v3 =	vld [tilespmem:s1+$0x6800];
	_ =	sdelay $0x4  }
0x10c: {  	s31 =	sadd.s32 $0x1, s31;
	v2 =	vadd.f32 v2, v3  }
0x10d: {  	p0 =	sne.s32 s31, s22  }
.Ltmp17:
0x10e: {  	[tilespmem:s1+$0x6800] =	vst v2;
	(pc) =	sbr.rel @p0 .LBB2_1-.Ltmp17, $4  }
0x10f: {  	[hbm4b:s21+s25] =	stream.strided.scatter [tilespmem:s28], [sflag:$0x1], $0x400, s30, s25, $0x38;
	[tilespmem:$0xB000] =	vst v63  }
0x110: {  	_ =	swait.ge [sflag:s23], $0x400  }
0x111: {  	[sflag:s23] =	ssyncset.done $0x0  }
0x112: {  	[sflag:s23] =	ssyncadd.s32 $0xFFFFFC00  }
0x113: {  	_ =	sfence.sel $0x180000  }
0x114: {  	[bflag:$0x0] =	sbarrier.arrive $0xFFFF  }
0x115: {  	_ =	strace $0x90000047  }
0x116: {  	s0 =	stileid.u32;
	[bflag:$0x2] =	sbarrier.arrive $0xFFFF  }
0x117: {  	p0 =	sne.s32 s0, $0x0;
	s0 =	rddreg [dreg:$0x3]  }
0x118: {  	s0 =	sadd.s32 @!p0 $0x100000, s0  }
0x119: {  	[sflag:s0] =	ssyncadd.tile.s32 @!p0 $0x1;
	_ =	shalt  }
.Lfunc_end2:
_tile_overlayer_lowered:
.L_overlay_start_2:
0x11a: {  	(tag) =	ssettag $0x2  }
0x11b: {  	s0 =	rddreg [dreg:$0x0];
	s2 =	stileid.u32  }
0x11c: {  	s1 =	rddreg [dreg:$0x1];
	p0 =	sne.s32 s2, $0x0  }
0x11d: {  	s3 =	rddreg [dreg:$0x2];
	[bflag:$0x3] =	sbarrier.arrive $0xFFFF;
	s2 =	simm.s32 @!p0 $0x1C01  }
0x11e: {  	[timem:s3], [sflag:s2] =	dma.local @!p0 [hbm:s0], s1  }
0x11f: {  	s0 =	simm.s32 @!p0 $0x1  }
0x120: {  	_ =	swait.ge @!p0 [sflag:s0], s1  }
0x121: {  	s1 =	ssub.s32 @!p0 $0x0, s1;
	[sflag:s0] =	ssyncset.done @!p0 $0x0  }
0x122: {  	[sflag:s0] =	ssyncadd.s32 @!p0 s1  }
0x123: {  	[bflag:$0x3] =	sbarrier.arrive $0xFFFF  }
0x124: {  	_ =	shalt  }

// kernel: kernel.9.cloned.1.call-start
scs
__scs_entry_jumppad:
0x0: {  	(pc) =	sbr.rel $0x88, $3  }
0x1: {  	(tag) =	ssettag $0x0;
	lr =	simm.s32 $0x1  }
0x2: {  	[smem:$0x3F9D] =	sst lr;
	_ =	strace $0xD0000000  }
0x3: {  	_ = 	snop  }
0x4: {  	_ = 	snop  }
0x5: {  	_ = 	snop  }
0x6: {  	_ = 	snop  }
0x7: {  	_ = 	snop  }
__scs_overlays_trampoline_lowered:
0x8: {  	[smem:$0x3FAC] =	sst s0  }
0x9: {  	[smem:$0x3FAD] =	sst s1  }
0xa: {  	[smem:$0x3FAE] =	sst s2  }
0xb: {  	[smem:$0x3FAF] =	sst s3  }
0xc: {  	[smem:$0x3FB0] =	sst s4  }
0xd: {  	[smem:$0x3FB1] =	sst s5  }
0xe: {  	[smem:$0x3FB2] =	sst s6  }
0xf: {  	[smem:$0x3FB3] =	sst s7  }
0x10: {  	[smem:$0x3FB4] =	sst s8  }
0x11: {  	[smem:$0x3FB5] =	sst s9;
	s0 =	simm.s32 @!p0 $0x0  }
0x12: {  	s1 =	sld [smem:$0x3F9B];
	s0 =	simm.s32 @p0 $0x1  }
0x13: {  	[smem:$0x3FB6] =	sst s0;
	s0 =	simm.s32 @!p1 $0x0  }
0x14: {  	s2 =	sld [smem:$0x3F9A];
	s0 =	simm.s32 @p1 $0x1  }
0x15: {  	[smem:$0x3FB7] =	sst s0;
	s0 =	simm.s32 @!p2 $0x0  }
0x16: {  	s3 =	sld [smem:$0x3FDB];
	s0 =	simm.s32 @p2 $0x1  }
0x17: {  	s4 =	simm.s32 $0x1BF5;
	[smem:$0x3FB9] =	sst s0  }
0x18: {  	s0 =	sld [smem:$0x3F9C];
	_ =	swait.ge [sflag:s4], $0x0  }
0x19: {  	s7 =	sld [smem:$0x3F9D]  }
0x1a: {  	s8 =	sadd.s32 $0xFFFFE003, lr  }
0x1b: {  	s9 =	sadd.s32 $0xFFFFFEF7, lr;
	s5 =	simm.s32 $0xFFFFFFFF;
	p2 =	slt.u32 s8, $0xFFFFF086  }
0x1c: {  	p1 =	slt.u32 s9, $0xF7A;
	s5 =	simm.s32 @!p2 $0x0  }
0x1d: {  	s5 =	simm.s32 @p1 $0x1;
	p0 =	seq.s32 s7, s2  }
0x1e: {  	s7 =	smul.u32 @!p0 $0xF7A, s2;
	p2 =	seq.s32 @!p0 s5, $0x0  }
0x1f: {  	s9 =	smul.u32 $0xF7A, s1;
	s8 =	simm.s32 @!p0 $0x1BF5;
	p2 =	por !p2, p0  }
0x20: {  	[sflag:s8] =	ssyncset.s32 @!p0 $0xFFFFF086;
	s6 =	sadd.s32 @!p0 s3, s7;
	s7 =	simm.s32 @!p0 $0x108  }
0x21: {  	s3 =	sadd.s32 s3, s9;
	s6 =	sadd.s32 @!p0 $0x88, s6;
	s7 =	simm.s32 @p2 $0x1082  }
0x22: {  	[simem:s7], [sflag:s8] =	dma.local @!p0 [hbm:s6], $0xF7A  }
0x23: {  	s9 =	sor.u32 $0xD0000000, s2;
	s6 =	simm.s32 $0x108;
	_ =	swait.ge @!p0 [sflag:s8], $0x0  }
0x24: {  	s3 =	sadd.s32 $0x88, s3;
	s6 =	simm.s32 @!p1 $0x1082;
	[sflag:s4] =	ssyncset.s32 $0xFFFFF086  }
0x25: {  	[simem:s6], [sflag:s4] =	dma.local [hbm:s3], $0xF7A  }
0x26: {  	[smem:$0x3F9D] =	sst s1;
	(tag) =	ssettag s2;
	_ =	strace s9  }
0x27: {  	s1 =	sld [smem:$0x3FAD]  }
0x28: {  	s2 =	sld [smem:$0x3FAE]  }
0x29: {  	s4 =	sld [smem:$0x3FB0]  }
0x2a: {  	p0 =	seq.s32 s5, $0x0;
	s5 =	sld [smem:$0x3FB1]  }
0x2b: {  	s6 =	sld [smem:$0x3FB2]  }
0x2c: {  	s7 =	sld [smem:$0x3FB3]  }
0x2d: {  	s3 =	simm.s32 $0x108;
	s8 =	sld [smem:$0x3FB4]  }
0x2e: {  	s3 =	simm.s32 @!p0 $0x1082;
	s9 =	sld [smem:$0x3FB5]  }
0x2f: {  	lr =	sadd.s32 s0, s3;
	s0 =	sld [smem:$0x3FAC]  }
0x30: {  	s3 =	sld [smem:$0x3FAF]  }
0x31: {  	[smem:$0x3FB8] =	sst s10  }
0x32: {  	s10 =	sld [smem:$0x3FB6];
	_ =	sdelay $0x3  }
0x33: {  	p0 =	seq.s32 s10, $0x1;
	s10 =	sld [smem:$0x3FB8];
	_ =	sdelay $0x3  }
0x34: {  	[smem:$0x3FB8] =	sst s10  }
0x35: {  	s10 =	sld [smem:$0x3FB7];
	_ =	sdelay $0x3  }
0x36: {  	p1 =	seq.s32 s10, $0x1;
	s10 =	sld [smem:$0x3FB8];
	_ =	sdelay $0x3  }
0x37: {  	[smem:$0x3FB8] =	sst s10  }
0x38: {  	s10 =	sld [smem:$0x3FB9]  }
0x39: {  	_ = 	snop;
	(pc) =	sbr.ind lr, $3  }
0x3a: {  	_ = 	snop  }
0x3b: {  	_ = 	snop  }
0x3c: {  	p2 =	seq.s32 s10, $0x1;
	s10 =	sld [smem:$0x3FB8]  }
0x3d: {  	_ =	shalt  }
0x3e: {  	_ =	shalt  }
0x3f: {  	_ =	shalt  }
0x40: {  	_ =	shalt  }
0x41: {  	_ =	shalt  }
0x42: {  	_ =	shalt  }
0x43: {  	_ =	shalt  }
0x44: {  	_ =	shalt  }
0x45: {  	_ =	shalt  }
0x46: {  	_ =	shalt  }
0x47: {  	_ =	shalt  }
0x48: {  	_ =	shalt  }
0x49: {  	_ =	shalt  }
0x4a: {  	_ =	shalt  }
0x4b: {  	_ =	shalt  }
0x4c: {  	_ =	shalt  }
0x4d: {  	_ =	shalt  }
0x4e: {  	_ =	shalt  }
0x4f: {  	_ =	shalt  }
0x50: {  	_ =	shalt  }
0x51: {  	_ =	shalt  }
0x52: {  	_ =	shalt  }
0x53: {  	_ =	shalt  }
0x54: {  	_ =	shalt  }
0x55: {  	_ =	shalt  }
0x56: {  	_ =	shalt  }
0x57: {  	_ =	shalt  }
0x58: {  	_ =	shalt  }
0x59: {  	_ =	shalt  }
0x5a: {  	_ =	shalt  }
0x5b: {  	_ =	shalt  }
0x5c: {  	_ =	shalt  }
0x5d: {  	_ =	shalt  }
0x5e: {  	_ =	shalt  }
0x5f: {  	_ =	shalt  }
0x60: {  	_ =	shalt  }
0x61: {  	_ =	shalt  }
0x62: {  	_ =	shalt  }
0x63: {  	_ =	shalt  }
0x64: {  	_ =	shalt  }
0x65: {  	_ =	shalt  }
0x66: {  	_ =	shalt  }
0x67: {  	_ =	shalt  }
0x68: {  	_ =	shalt  }
0x69: {  	_ =	shalt  }
0x6a: {  	_ =	shalt  }
0x6b: {  	_ =	shalt  }
0x6c: {  	_ =	shalt  }
0x6d: {  	_ =	shalt  }
0x6e: {  	_ =	shalt  }
0x6f: {  	_ =	shalt  }
0x70: {  	_ =	shalt  }
0x71: {  	_ =	shalt  }
0x72: {  	_ =	shalt  }
0x73: {  	_ =	shalt  }
0x74: {  	_ =	shalt  }
0x75: {  	_ =	shalt  }
0x76: {  	_ =	shalt  }
0x77: {  	_ =	shalt  }
0x78: {  	_ =	shalt  }
0x79: {  	_ =	shalt  }
0x7a: {  	_ =	shalt  }
0x7b: {  	_ =	shalt  }
0x7c: {  	_ =	shalt  }
0x7d: {  	_ =	shalt  }
0x7e: {  	_ =	shalt  }
0x7f: {  	_ =	shalt  }
0x80: {  	_ =	shalt  }
0x81: {  	_ =	shalt  }
0x82: {  	_ =	shalt  }
0x83: {  	_ =	shalt  }
0x84: {  	_ =	shalt  }
0x85: {  	_ =	shalt  }
0x86: {  	_ =	shalt  }
0x87: {  	_ =	shalt  }
.Lfunc_end0:
.L_simem_size_0:
called_computation.1_lowered:
.L_overlay_start_0:
0x88: {  	s2 =	sld [smem:$0x3FD9]  }
0x89: {  	s3 =	sld [smem:$0x3FFE];
	_ =	sdelay $0x1  }
0x8a: {  	s1 =	srdreg.scid  }
0x8b: {  	s0 =	sand.u32 $0x1, s1  }
0x8c: {  	s17 =	sshll.u32 s0, $0xA;
	s2 =	sadd.s32 s3, s2  }
0x8d: {  	s2 =	sadd.s32 s2, s17  }
0x8e: {  	[smem:$0x3FC4] =	sst s2  }
0x8f: {  	_ = 	snop  }
0x90: {  	s2 =	sld [smem:$0x3FD0];
	(tm) =	ssettm $0x1  }
0x91: {  	s18 =	sld [smem:$0x3FFB];
	_ =	sdelay $0x3  }
0x92: {  	_ =	strace s18  }
0x93: {  	s3 =	sld [smem:$0x3FFC];
	_ =	sdelay $0x3  }
0x94: {  	_ =	strace s3  }
0x95: {  	s3 =	sld [smem:$0x3FFD];
	_ =	sdelay $0x3  }
0x96: {  	_ =	strace s3  }
0x97: {  	_ =	strace $0x8FFFFFFF  }
0x98: {  	s19 =	sld [smem:$0x3FDB];
	_ =	sdelay $0x1  }
0x99: {  	s4 =	simm.s32 $_scs_section_size  }
0x9a: {  	s5 =	simm.s32 $_size__tile_overlayer_lowered;
	s6 =	simm.s32 $_tile_overlayer_lowered  }
0x9b: {  	s22 =	simm.s32 $0x1BFF;
	s21 =	sshll.u32 s6, $0x1;
	s3 =	sadd.s32 s4, s19  }
0x9c: {  	s7 =	simm.s32 $0x0;
	s20 =	sshll.u32 s5, $0x1;
	s5 =	sadd.s32 s21, s3  }
0x9d: {  	[timem:s7], [sflag:s22] =	dma.local [hbm:s5], s20  }
0x9e: {  	_ =	swait.ge [sflag:s22], s20  }
0x9f: {  	s4 =	ssub.s32 $0x0, s20;
	[sflag:s22] =	ssyncset.done $0x0  }
0xa0: {  	[sflag:s22] =	ssyncadd.s32 s4;
	_ =	sdelay $0x1  }
0xa1: {  	s23 =	simm.s32 $0x1B8B  }
0xa2: {  	_ =	swait.ge [sflag:s23], $0x1  }
0xa3: {  	[sflag:s23] =	ssyncset.done $0x0  }
0xa4: {  	s25 =	simm.s32 $0x1B8E;
	s24 =	sld [smem:$0x3FFE];
	[sflag:s23] =	ssyncadd.s32 $0xFFFFFFFF  }
0xa5: {  	s26 =	simm.s32 $execute0_lowered;
	[smem:$0x3FD2] =	sst s25  }
0xa6: {  	s5 =	sshll.u32 s26, $0x1;
	_ =	strace $0x80000049;
	[dreg:$0x1] =	wrdreg $0xFFFFFFFF  }
0xa7: {  	s28 =	simm.s32 $_size_execute0_lowered;
	s3 =	sadd.s32 s3, s5;
	[dreg:$0x0] =	wrdreg $0x0  }
0xa8: {  	s5 =	sshll.u32 s28, $0x1;
	[dreg:$0x2] =	wrdreg s3  }
0xa9: {  	[dreg:$0x3] =	wrdreg s5  }
0xaa: {  	[dreg:$0x4] =	wrdreg $0xC0  }
0xab: {  	_ =	task [dreg:s7], $0x5FFFF  }
0xac: {  	[dreg:$0x1] =	wrdreg $0xFFFFFFFF  }
0xad: {  	[dreg:$0x0] =	wrdreg $0x60  }
0xae: {  	[dreg:$0x2] =	wrdreg s2  }
0xaf: {  	[dreg:$0x3] =	wrdreg s24  }
0xb0: {  	[dreg:$0x4] =	wrdreg $0x90000  }
0xb1: {  	[dreg:$0x5] =	wrdreg $0x9  }
0xb2: {  	_ =	task.clear_ibuf [dreg:s7], $0x6FFFF;
	_ =	strace $0x90000049  }
0xb3: {  	s29 =	simm.s32 $0x9;
	_ =	strace $0x8000004B  }
0xb4: {  	_ =	swait.ge [sflag:s29], $0x1  }
0xb5: {  	[sflag:s29] =	ssyncadd.s32 $0xFFFFFFFF  }
0xb6: {  	_ =	strace $0x9000004B  }
0xb7: {  	_ =	sfence  }
0xb8: {  	s30 =	sld [smem:$0x0];
	_ =	sdelay $0x2  }
0xb9: {  	s31 =	sshll.u32 s1, $0xD;
	s1 =	sshrl.u32 s1, $0x2  }
0xba: {  	s3 =	sand.u32 $0x4000, s31;
	s1 =	sadd.s32 s1, s30  }
0xbb: {  	s0 =	sor.u32 s3, s0;
	s1 =	sshll.u32 s1, $0x11  }
0xbc: {  	s0 =	sor.u32 s1, s0  }
0xbd: {  	s0 =	sadd.s32 $0x8F2B, s0  }
0xbe: {  	[sflag:s0] =	ssyncadd.remote.s32 $0x1  }
0xbf: {  	_ =	sfence.sel $0xFFFF  }
0xc0: {  	[dreg:$0x0] =	wrdreg $0xFFFFFFFF;
	(pc) =	sbr.abs _section_cstart, $3  }
0xc1: {  	[dreg:$0x1] =	wrdreg $0xFFFFFFFF  }
0xc2: {  	_ =	task.clear_ibuf [dreg:s7], $0x2FFFF;
	_ =	strace $0x9FFFFFFF  }
0xc3: {  	(tm) =	ssettm $0x7FFFFFFF  }
tec
execute0_lowered:
.L_overlay_start_1:
0x0: {  	(tag) =	ssettag $0x1  }
0x1: {  	s1 =	rddreg [dreg:$0x0]  }
0x2: {  	s2 =	srdreg.scid;
	s7 =	rddreg [dreg:$0x1]  }
0x3: {  	s0 =	stileid.u32;
	s3 =	rddreg [dreg:$0x2];
	s4 =	simm.s32 $0x0  }
0x4: {  	s14 =	simm.s32 $0x80;
	s15 =	simm.s32 $0x5000;
	s16 =	simm.s32 $0x1  }
0x5: {  	s17 =	simm.s32 $0x0;
	s6 =	sand.u32 $0x1, s2;
	s9 =	smul.u32 $0x13C00, s0  }
0x6: {  	s26 =	sshll.u32 s0, $0x1;
	[smem:$0x7FF] =	sst s4;
	s28 =	smul.u32 $0x4F000, s0  }
0x7: {  	s31 =	sshll.u32 s0, $0x6;
	s2 =	sor.u32 s6, s26;
	s8 =	smul.u32 $0x13C000, s6  }
0x8: {  	s6 =	ssub.s32 $0x2, s6;
	s5 =	smul.u32 $0x500, s2;
	s2 =	rddreg [dreg:$0x3]  }
0x9: {  	_ =	strace $0x8000004A;
	s29 =	sshrl.u32 s6, $0x1;
	s30 =	sshrl.u32 s28, $0x2  }
0xa: {  	s8 =	sadd.s32 s9, s8;
	s12 =	ssub.s32 s6, s29;
	s13 =	sadd.s32 s30, s3  }
0xb: {  	s6 =	sor.u32 $0x1C02, s31;
	s10 =	sadd.s32 s5, s7;
	s8 =	sshrl.u32 s8, $0x3  }
0xc: {  	s5 =	sadd.s32 $0x95400, s7;
	s11 =	sadd.s32 s8, s7;
	s7 =	sadd.s32 $0xB400, s10  }
0xd: {  	s8 =	sadd.s32 $0x1400, s10;
	s10 =	smax.u32 s12, $0x1;
	s12 =	simm.s32 $0x2  }
0xe: {  	s9 =	sadd.s32 $0x97C00, s11;
	s11 =	sshrl.u32 s13, $0x3;
	s13 =	simm.s32 $0x2800  }
.LBB2_1:
0xf: {  	[spmem:s11], [sflag:s6] =	dma.local [hbm:s5], $0x2780  }
0x10: {  	_ =	swait.ge [sflag:s12], $0x2780  }
0x11: {  	[sflag:s12] =	ssyncset.done $0x0  }
0x12: {  	[sflag:s12] =	ssyncadd.s32 $0xFFFFD880  }
0x13: {  	[tilespmem:s4], [sflag:$0x2] =	stream.linear.gather [hbm4b:s7+s4], $0x2780, $0x38;
	[tilespmem:$0x1CC00] =	vst v63  }
0x14: {  	_ =	swait.ge [sflag:s12], $0x2780  }
0x15: {  	[sflag:s12] =	ssyncset.done $0x0  }
0x16: {  	[sflag:s12] =	ssyncadd.s32 $0xFFFFD880  }
0x17: {  	[tilespmem:s13], [sflag:$0x2] =	stream.linear.gather [hbm4b:s8+s4], $0x2780, $0x38;
	[tilespmem:$0x1CC00] =	vst v63  }
0x18: {  	_ =	swait.ge [sflag:s12], $0x2780  }
0x19: {  	[sflag:s12] =	ssyncset.done $0x0  }
0x1a: {  	[sflag:s12] =	ssyncadd.s32 $0xFFFFD880  }
0x1b: {  	s18 =	simm.s32 $0x0;
	[bflag:$0x0] =	sbarrier.arrive $0xFFFF  }
0x1c: {  	[tilespmem:s15], [sflag:$0x1] =	stream.indirect.gather [hbm4b:s1+s14], $0x80, s18, s14, $0xb8;
	[tilespmem:$0x1CC00] =	vst v63  }
0x1d: {  	_ =	swait.ge [sflag:s16], $0x4000  }
0x1e: {  	[sflag:s16] =	ssyncset.done $0x0  }
0x1f: {  	s31 =	simm.s32 $0x2800;
	[sflag:s16] =	ssyncadd.s32 $0xFFFFC000  }
0x20: {  	[spmem:s3] =	stream.indirect.scatter.add.f32 [tilespmem:s15], [sflag:$0x2], $0x80, s31, s14, $0xb8;
	[tilespmem:$0x1CC00] =	vst v63  }
0x21: {  	_ =	swait.ge [sflag:s12], $0x4000  }
0x22: {  	s19 =	simm.s32 $0x400;
	s18 =	simm.s32 $0x200;
	[sflag:s12] =	ssyncset.done $0x0  }
.LBB2_2:
0x23: {  	s20 =	sshra.s32 s18, $0x2  }
0x24: {  	[sflag:s12] =	ssyncadd.s32 $0xFFFFC000;
	s18 =	smov.u32 s19;
	s21 =	sadd.s32 $0x200, s19  }
0x25: {  	[tilespmem:s15], [sflag:$0x1] =	stream.indirect.gather [hbm4b:s1+s14], $0x80, s20, s14, $0xb8;
	[tilespmem:$0x1CC00] =	vst v63  }
0x26: {  	p0 =	sne.s32 s19, $0x9C00;
	_ =	swait.ge [sflag:s16], $0x4000  }
.Ltmp0:
0x27: {  	[sflag:s16] =	ssyncset.done $0x0;
	(pc) =	sbr.rel @p0 .LBB2_2-.Ltmp0, $4  }
0x28: {  	s19 =	sadd.s32 $0x2800, s20;
	[sflag:s16] =	ssyncadd.s32 $0xFFFFC000  }
0x29: {  	[spmem:s3] =	stream.indirect.scatter.add.f32 [tilespmem:s15], [sflag:$0x2], $0x80, s19, s14, $0xb8;
	[tilespmem:$0x1CC00] =	vst v63  }
0x2a: {  	_ =	swait.ge [sflag:s12], $0x4000  }
0x2b: {  	s19 =	smov.u32 s21;
	[sflag:s12] =	ssyncset.done $0x0  }
0x2c: {  	s18 =	sshra.s32 s18, $0x2;
	[sflag:s12] =	ssyncadd.s32 $0xFFFFC000  }
0x2d: {  	[tilespmem:s15], [sflag:$0x1] =	stream.indirect.gather [hbm4b:s1+s14], $0x80, s18, s14, $0xb8;
	[tilespmem:$0x1CC00] =	vst v63  }
0x2e: {  	_ =	swait.ge [sflag:s16], $0x4000  }
0x2f: {  	[sflag:s16] =	ssyncset.done $0x0  }
0x30: {  	s18 =	sadd.s32 $0x2800, s18;
	[sflag:s16] =	ssyncadd.s32 $0xFFFFC000  }
0x31: {  	[spmem:s3] =	stream.indirect.scatter.add.f32 [tilespmem:s15], [sflag:$0x2], $0x80, s18, s14, $0xb8;
	[tilespmem:$0x1CC00] =	vst v63  }
0x32: {  	_ =	swait.ge [sflag:s12], $0x4000  }
0x33: {  	s17 =	sadd.s32 $0x1, s17;
	[sflag:s12] =	ssyncset.done $0x0  }
0x34: {  	p0 =	sne.s32 s17, s10;
	[sflag:s12] =	ssyncadd.s32 $0xFFFFC000  }
.Ltmp1:
0x35: {  	[bflag:$0x0] =	sbarrier.arrive $0xFFFF;
	(pc) =	sbr.rel @p0 .LBB2_1-.Ltmp1, $4  }
0x36: {  	[hbm:s9], [sflag:s6] =	dma.local [spmem:s11], $0x2780  }
0x37: {  	_ =	swait.ge [sflag:s12], $0x2780  }
0x38: {  	[sflag:s12] =	ssyncset.done $0x0  }
0x39: {  	[sflag:s12] =	ssyncadd.s32 $0xFFFFD880  }
0x3a: {  	_ =	sfence.sel $0x180000  }
0x3b: {  	[bflag:$0x0] =	sbarrier.arrive $0xFFFF  }
0x3c: {  	p0 =	sne.s32 s0, $0x0;
	_ =	strace $0x9000004A  }
0x3d: {  	s0 =	sadd.s32 @!p0 $0x100000, s2;
	[bflag:$0x2] =	sbarrier.arrive $0xFFFF  }
0x3e: {  	[sflag:s0] =	ssyncadd.tile.s32 @!p0 $0x1;
	_ =	shalt  }
.Lfunc_end2:
_tile_overlayer_lowered:
.L_overlay_start_2:
0x3f: {  	(tag) =	ssettag $0x2  }
0x40: {  	s0 =	rddreg [dreg:$0x0];
	s2 =	stileid.u32  }
0x41: {  	s1 =	rddreg [dreg:$0x1];
	p0 =	sne.s32 s2, $0x0  }
0x42: {  	s3 =	rddreg [dreg:$0x2];
	[bflag:$0x3] =	sbarrier.arrive $0xFFFF;
	s2 =	simm.s32 @!p0 $0x1C02  }
0x43: {  	[timem:s3], [sflag:s2] =	dma.local @!p0 [hbm:s0], s1  }
0x44: {  	s0 =	simm.s32 @!p0 $0x2  }
0x45: {  	_ =	swait.ge @!p0 [sflag:s0], s1  }
0x46: {  	s1 =	ssub.s32 @!p0 $0x0, s1;
	[sflag:s0] =	ssyncset.done @!p0 $0x0  }
0x47: {  	[sflag:s0] =	ssyncadd.s32 @!p0 s1  }
0x48: {  	[bflag:$0x3] =	sbarrier.arrive $0xFFFF  }
0x49: {  	_ =	shalt  }

</sc_bundles>
